<compile_context>
chip_gen: v7x
topology: tpu7x:2x2x1
jax: 0.10.2.dev20260603
libtpu: 0.0.44.dev20260713+nightly
codegen_flags: <defaults>
</compile_context>

<pallas_src>
import functools

import jax
import jax.numpy as jnp
from jax import lax
from jax.experimental import pallas as pl
from jax.experimental.pallas import tpu as pltpu
from jax.experimental.pallas import tpu_sc as plsc

B = 1024
D = 16
NC = 2
NS = 16
NW = NC * NS
S = 256
RPW = S // NW
NCH = B // D
TR = 256


def _sigmoid(v):
    return 1.0 / (1.0 + jnp.exp(-v))


def _tree_add(terms):
    terms = list(terms)
    while len(terms) > 1:
        terms = [a + b for a, b in zip(terms[::2], terms[1::2])] + (
            [terms[-1]] if len(terms) % 2 else []
        )
    return terms[0]


def _sc_half(x1, x2t):
    mesh = plsc.VectorSubcoreMesh(
        core_axis_name="c", subcore_axis_name="s", num_cores=NC, num_subcores=NS
    )

    @functools.partial(
        pl.kernel,
        out_type=(
            jax.ShapeDtypeStruct((S, B), jnp.float32),
            jax.ShapeDtypeStruct((B, S), jnp.float32),
        ),
        mesh=mesh,
        compiler_params=pltpu.CompilerParams(
            use_tc_tiling_on_sc=False, needs_layout_passes=False
        ),
        scratch_types=[
            pltpu.VMEM((RPW, D), jnp.float32),
            pltpu.VMEM((D, B), jnp.float32),
            pltpu.VMEM((B,), jnp.float32),
            pltpu.VMEM((RPW, B), jnp.float32),
            pltpu.VMEM((B, RPW), jnp.float32),
            pltpu.SMEM((RPW, D + 1), jnp.float32),
        ],
    )
    def sc_kernel(x1_hbm, x2t_hbm, out1_hbm, out2_hbm,
                  rows_v, bt_v, sb_v, out_v, outt_v, scal_s):
        wid = lax.axis_index("s") * NC + lax.axis_index("c")
        base = wid * RPW

        pltpu.sync_copy(x1_hbm.at[pl.ds(base, RPW)], rows_v)
        pltpu.sync_copy(x2t_hbm, bt_v)

        def sb_body(c, carry):
            off = c * D
            vals = [_sigmoid(bt_v[d, pl.ds(off, D)]) for d in range(D)]
            for d in range(D):
                bt_v[d, pl.ds(off, D)] = vals[d]
            sb_v[pl.ds(off, D)] = _tree_add(vals)
            return carry

        lax.fori_loop(0, NCH, sb_body, 0, unroll=False)

        def arow_body(i, carry):
            v = _sigmoid(rows_v[i, :])
            sa = v[0]
            scal_s[i, 0] = v[0]
            for d in range(1, D):
                scal_s[i, d] = v[d]
                sa = sa + v[d]
            scal_s[i, D] = sa
            return carry

        lax.fori_loop(0, RPW, arow_body, 0, unroll=False)

        def col_body(c, carry):
            off = c * D
            bts = [bt_v[d, pl.ds(off, D)] for d in range(D)]
            sbc = sb_v[pl.ds(off, D)]
            ridx = lax.iota(jnp.int32, D) + off
            zsplat = jnp.full((D,), 0, jnp.int32)

            def row_body(i, icarry):
                mins = _tree_add(
                    jnp.minimum(scal_s[i, d], bts[d]) for d in range(D)
                )
                sim = mins / (scal_s[i, D] + sbc - mins)
                out_v[i, pl.ds(off, D)] = sim
                plsc.store_scatter(outt_v, [ridx, zsplat + i], sim)
                return icarry

            lax.fori_loop(0, RPW, row_body, 0, unroll=False)
            return carry

        lax.fori_loop(0, NCH, col_body, 0, unroll=False)

        pltpu.sync_copy(out_v, out1_hbm.at[pl.ds(base, RPW)])
        pltpu.sync_copy(outt_v, out2_hbm.at[:, pl.ds(base, RPW)])

    return sc_kernel(x1, x2t)


def _tc_half(x1, x2):
    def tc_kernel(x1_ref, x2_ref, o1_ref, o2_ref):
        a = _sigmoid(x1_ref[...])
        b = _sigmoid(x2_ref[...])
        sa = jnp.sum(a, axis=1)
        sb = jnp.sum(b, axis=1)
        mins = jnp.zeros((TR, B), jnp.float32)
        for d in range(D):
            mins = mins + jnp.minimum(a[:, d:d + 1], b[:, d][None, :])
        sim = mins / (sa[:, None] + sb[None, :] - mins)
        o1_ref[...] = sim
        o2_ref[...] = sim.T

    nblk = (B - S) // TR
    return pl.pallas_call(
        tc_kernel,
        grid=(nblk,),
        in_specs=[
            pl.BlockSpec((TR, D), lambda g: (g + S // TR, 0)),
            pl.BlockSpec((B, D), lambda g: (0, 0)),
        ],
        out_specs=[
            pl.BlockSpec((TR, B), lambda g: (g, 0)),
            pl.BlockSpec((B, TR), lambda g: (0, g)),
        ],
        out_shape=[
            jax.ShapeDtypeStruct((B - S, B), jnp.float32),
            jax.ShapeDtypeStruct((B, B - S), jnp.float32),
        ],
    )(x1, x2)


def kernel(x1, x2):
    x2t = x2.T
    sc1, sc2 = _sc_half(x1, x2t)
    tc1, tc2 = _tc_half(x1, x2)
    out1 = jnp.concatenate([sc1, tc1], axis=0)
    out2 = jnp.concatenate([sc2, tc2], axis=1)
    return (out1, out2)

# --- scband reference (transcript-rebuilt; emitter-appended) ---
"""Pipeline reference for scband-concept-space-37555194036374 (READ-ONLY COPY).

The authoritative reference and input builder live on the scoring server;
editing this copy changes nothing except your own understanding.
"""

import jax, jax.numpy as jnp
import numpy as np


def jaccard_similarity(a, b):
    # pairwise soft Jaccard: sim[i, j] = sum_d min(a[i,d], b[j,d]) / sum_d max(a[i,d], b[j,d])
    mins = jnp.minimum(a[:, None, :], b[None, :, :]).sum(axis=-1)
    maxs = jnp.maximum(a[:, None, :], b[None, :, :]).sum(axis=-1)
    return mins / maxs


def setup_inputs(seed: int = 0) -> dict:
    key = jax.random.key(seed)
    k1, k2 = jax.random.split(key)
    x1 = jax.random.normal(k1, (1024, 16), dtype=jnp.float32)
    x2 = jax.random.normal(k2, (1024, 16), dtype=jnp.float32)
    return {"x1": x1, "x2": x2}


def reference(x1, x2):
    out1 = jax.nn.sigmoid(x1)
    out2 = jax.nn.sigmoid(x2)
    sim = jaccard_similarity(out1, out2)
    return (sim, sim.T)

if __name__ == "__main__":
    import jax
    _d = setup_inputs()
    print(jax.jit(kernel)(*tuple(_d.values())))

</pallas_src>

<mosaic_0001>
#map = affine_map<(d0, d1) -> (0, 0)>
module attributes {stable_mosaic.version = 14 : i64} {
  func.func @sc_kernel(%arg0: i32, %arg1: i32, %arg2: memref<1024x16xf32, #tpu.memory_space<hbm>>, %arg3: memref<16x1024xf32, #tpu.memory_space<hbm>>, %arg4: memref<256x1024xf32, #tpu.memory_space<hbm>>, %arg5: memref<1024x256xf32, #tpu.memory_space<hbm>>, %arg6: memref<8x16xf32, #tpu.memory_space<vmem>>, %arg7: memref<16x1024xf32, #tpu.memory_space<vmem>>, %arg8: memref<1024xf32, #tpu.memory_space<vmem>>, %arg9: memref<8x1024xf32, #tpu.memory_space<vmem>>, %arg10: memref<1024x8xf32, #tpu.memory_space<vmem>>, %arg11: memref<8x17xf32, #tpu.memory_space<smem>>) attributes {dimension_semantics = [#tpu.dimension_semantics<core_parallel>, #tpu.dimension_semantics<subcore_parallel>], iteration_bounds = array<i64: 2, 16>, scalar_prefetch = 0 : i64, scratch_operands = 6 : i64, tpu.core_type = #tpu.core_type<sc_vector_subcore>, window_params = [{transform_indices = #map}, {transform_indices = #map}, {transform_indices = #map}, {transform_indices = #map}]} {
    %mul3A = arith.constant 2 : i32
    %mul3A_0 = arith.muli %arg1, %mul3A : i32
    %add3A = arith.addi %mul3A_0, %arg0 : i32
    %mul3A_1 = arith.constant 8 : i32
    %mul3A_2 = arith.muli %add3A, %mul3A_1 : i32
    "tpu.region"() ({
      %run_scoped3A = tpu.sem_alloc : memref<!tpu.dma_semaphore, #tpu.memory_space<semaphore_mem>>
      %dma_start3A = arith.constant 0 : i32
      %dma_start3A_20 = tpu.memref_slice %arg2[%mul3A_2, %dma_start3A] : memref<1024x16xf32, #tpu.memory_space<hbm>> -> memref<8x16xf32, #tpu.memory_space<hbm>>
      %dma_start3A_21 = arith.constant 0 : i32
      %dma_start3A_22 = tpu.memref_slice %arg2[%mul3A_2, %dma_start3A_21] : memref<1024x16xf32, #tpu.memory_space<hbm>> -> memref<8x16xf32, #tpu.memory_space<hbm>>
      tpu.enqueue_dma source(%dma_start3A_22 : memref<8x16xf32, #tpu.memory_space<hbm>>) target(%arg6 : memref<8x16xf32, #tpu.memory_space<vmem>>) target_semaphore(%run_scoped3A : memref<!tpu.dma_semaphore, #tpu.memory_space<semaphore_mem>>)
      %dma_wait3A = arith.constant 0 : i32
      %dma_wait3A_23 = tpu.memref_slice %arg2[%mul3A_2, %dma_wait3A] : memref<1024x16xf32, #tpu.memory_space<hbm>> -> memref<8x16xf32, #tpu.memory_space<hbm>>
      %dma_wait3A_24 = arith.constant 0 : i32
      %dma_wait3A_25 = tpu.memref_slice %arg2[%mul3A_2, %dma_wait3A_24] : memref<1024x16xf32, #tpu.memory_space<hbm>> -> memref<8x16xf32, #tpu.memory_space<hbm>>
      tpu.wait_dma2 semaphore(%run_scoped3A : memref<!tpu.dma_semaphore, #tpu.memory_space<semaphore_mem>>) src(%dma_wait3A_25 : memref<8x16xf32, #tpu.memory_space<hbm>>) dst(%arg6 : memref<8x16xf32, #tpu.memory_space<vmem>>)
      tpu.yield
    }) : () -> ()
    "tpu.region"() ({
      %run_scoped3A = tpu.sem_alloc : memref<!tpu.dma_semaphore, #tpu.memory_space<semaphore_mem>>
      tpu.enqueue_dma source(%arg3 : memref<16x1024xf32, #tpu.memory_space<hbm>>) target(%arg7 : memref<16x1024xf32, #tpu.memory_space<vmem>>) target_semaphore(%run_scoped3A : memref<!tpu.dma_semaphore, #tpu.memory_space<semaphore_mem>>)
      tpu.wait_dma2 semaphore(%run_scoped3A : memref<!tpu.dma_semaphore, #tpu.memory_space<semaphore_mem>>) src(%arg3 : memref<16x1024xf32, #tpu.memory_space<hbm>>) dst(%arg7 : memref<16x1024xf32, #tpu.memory_space<vmem>>)
      tpu.yield
    }) : () -> ()
    %scan3A = arith.constant 0 : i32
    %scan3A_3 = arith.constant 0 : i32
    %scan3A_4 = arith.constant 64 : i32
    %scan3A_5 = arith.addi %scan3A_3, %scan3A_4 : i32
    %scan3A_6 = arith.constant 1 : i32
    scf.for %scan3A_20 = %scan3A_3 to %scan3A_5 step %scan3A_6  : i32 {
      %mul3A_21 = arith.constant 16 : i32
      %mul3A_22 = arith.muli %scan3A_20, %mul3A_21 : i32
      %get3A = arith.constant 0 : i32
      %get3A_23 = arith.index_cast %get3A : i32 to index
      %get3A_24 = arith.index_cast %mul3A_22 : i32 to index
      %get3A_25 = tpu.vector_load %arg7[%get3A_23, %get3A_24] {strides = array<i32>} : memref<16x1024xf32, #tpu.memory_space<vmem>>, vector<16xf32>,
      %neg3A = arith.constant 0.000000e+00 : f32
      %neg3A_26 = vector.broadcast %neg3A : f32 to vector<16xf32>
      %neg3A_27 = arith.subf %neg3A_26, %get3A_25 : vector<16xf32>
      %exp3A = math.exp %neg3A_27 : vector<16xf32>
      %add3A_28 = arith.constant 1.000000e+00 : f32
      %add3A_29 = vector.broadcast %add3A_28 : f32 to vector<16xf32>
      %add3A_30 = arith.addf %add3A_29, %exp3A : vector<16xf32>
      %div3A = arith.constant 1.000000e+00 : f32
      %div3A_31 = vector.broadcast %div3A : f32 to vector<16xf32>
      %div3A_32 = arith.divf %div3A_31, %add3A_30 : vector<16xf32>
      %get3A_33 = arith.constant 1 : i32
      %get3A_34 = arith.index_cast %get3A_33 : i32 to index
      %get3A_35 = arith.index_cast %mul3A_22 : i32 to index
      %get3A_36 = tpu.vector_load %arg7[%get3A_34, %get3A_35] {strides = array<i32>} : memref<16x1024xf32, #tpu.memory_space<vmem>>, vector<16xf32>,
      %neg3A_37 = arith.constant 0.000000e+00 : f32
      %neg3A_38 = vector.broadcast %neg3A_37 : f32 to vector<16xf32>
      %neg3A_39 = arith.subf %neg3A_38, %get3A_36 : vector<16xf32>
      %exp3A_40 = math.exp %neg3A_39 : vector<16xf32>
      %add3A_41 = arith.constant 1.000000e+00 : f32
      %add3A_42 = vector.broadcast %add3A_41 : f32 to vector<16xf32>
      %add3A_43 = arith.addf %add3A_42, %exp3A_40 : vector<16xf32>
      %div3A_44 = arith.constant 1.000000e+00 : f32
      %div3A_45 = vector.broadcast %div3A_44 : f32 to vector<16xf32>
      %div3A_46 = arith.divf %div3A_45, %add3A_43 : vector<16xf32>
      %get3A_47 = arith.constant 2 : i32
      %get3A_48 = arith.index_cast %get3A_47 : i32 to index
      %get3A_49 = arith.index_cast %mul3A_22 : i32 to index
      %get3A_50 = tpu.vector_load %arg7[%get3A_48, %get3A_49] {strides = array<i32>} : memref<16x1024xf32, #tpu.memory_space<vmem>>, vector<16xf32>,
      %neg3A_51 = arith.constant 0.000000e+00 : f32
      %neg3A_52 = vector.broadcast %neg3A_51 : f32 to vector<16xf32>
      %neg3A_53 = arith.subf %neg3A_52, %get3A_50 : vector<16xf32>
      %exp3A_54 = math.exp %neg3A_53 : vector<16xf32>
      %add3A_55 = arith.constant 1.000000e+00 : f32
      %add3A_56 = vector.broadcast %add3A_55 : f32 to vector<16xf32>
      %add3A_57 = arith.addf %add3A_56, %exp3A_54 : vector<16xf32>
      %div3A_58 = arith.constant 1.000000e+00 : f32
      %div3A_59 = vector.broadcast %div3A_58 : f32 to vector<16xf32>
      %div3A_60 = arith.divf %div3A_59, %add3A_57 : vector<16xf32>
      %get3A_61 = arith.constant 3 : i32
      %get3A_62 = arith.index_cast %get3A_61 : i32 to index
      %get3A_63 = arith.index_cast %mul3A_22 : i32 to index
      %get3A_64 = tpu.vector_load %arg7[%get3A_62, %get3A_63] {strides = array<i32>} : memref<16x1024xf32, #tpu.memory_space<vmem>>, vector<16xf32>,
      %neg3A_65 = arith.constant 0.000000e+00 : f32
      %neg3A_66 = vector.broadcast %neg3A_65 : f32 to vector<16xf32>
      %neg3A_67 = arith.subf %neg3A_66, %get3A_64 : vector<16xf32>
      %exp3A_68 = math.exp %neg3A_67 : vector<16xf32>
      %add3A_69 = arith.constant 1.000000e+00 : f32
      %add3A_70 = vector.broadcast %add3A_69 : f32 to vector<16xf32>
      %add3A_71 = arith.addf %add3A_70, %exp3A_68 : vector<16xf32>
      %div3A_72 = arith.constant 1.000000e+00 : f32
      %div3A_73 = vector.broadcast %div3A_72 : f32 to vector<16xf32>
      %div3A_74 = arith.divf %div3A_73, %add3A_71 : vector<16xf32>
      %get3A_75 = arith.constant 4 : i32
      %get3A_76 = arith.index_cast %get3A_75 : i32 to index
      %get3A_77 = arith.index_cast %mul3A_22 : i32 to index
      %get3A_78 = tpu.vector_load %arg7[%get3A_76, %get3A_77] {strides = array<i32>} : memref<16x1024xf32, #tpu.memory_space<vmem>>, vector<16xf32>,
      %neg3A_79 = arith.constant 0.000000e+00 : f32
      %neg3A_80 = vector.broadcast %neg3A_79 : f32 to vector<16xf32>
      %neg3A_81 = arith.subf %neg3A_80, %get3A_78 : vector<16xf32>
      %exp3A_82 = math.exp %neg3A_81 : vector<16xf32>
      %add3A_83 = arith.constant 1.000000e+00 : f32
      %add3A_84 = vector.broadcast %add3A_83 : f32 to vector<16xf32>
      %add3A_85 = arith.addf %add3A_84, %exp3A_82 : vector<16xf32>
      %div3A_86 = arith.constant 1.000000e+00 : f32
      %div3A_87 = vector.broadcast %div3A_86 : f32 to vector<16xf32>
      %div3A_88 = arith.divf %div3A_87, %add3A_85 : vector<16xf32>
      %get3A_89 = arith.constant 5 : i32
      %get3A_90 = arith.index_cast %get3A_89 : i32 to index
      %get3A_91 = arith.index_cast %mul3A_22 : i32 to index
      %get3A_92 = tpu.vector_load %arg7[%get3A_90, %get3A_91] {strides = array<i32>} : memref<16x1024xf32, #tpu.memory_space<vmem>>, vector<16xf32>,
      %neg3A_93 = arith.constant 0.000000e+00 : f32
      %neg3A_94 = vector.broadcast %neg3A_93 : f32 to vector<16xf32>
      %neg3A_95 = arith.subf %neg3A_94, %get3A_92 : vector<16xf32>
      %exp3A_96 = math.exp %neg3A_95 : vector<16xf32>
      %add3A_97 = arith.constant 1.000000e+00 : f32
      %add3A_98 = vector.broadcast %add3A_97 : f32 to vector<16xf32>
      %add3A_99 = arith.addf %add3A_98, %exp3A_96 : vector<16xf32>
      %div3A_100 = arith.constant 1.000000e+00 : f32
      %div3A_101 = vector.broadcast %div3A_100 : f32 to vector<16xf32>
      %div3A_102 = arith.divf %div3A_101, %add3A_99 : vector<16xf32>
      %get3A_103 = arith.constant 6 : i32
      %get3A_104 = arith.index_cast %get3A_103 : i32 to index
      %get3A_105 = arith.index_cast %mul3A_22 : i32 to index
      %get3A_106 = tpu.vector_load %arg7[%get3A_104, %get3A_105] {strides = array<i32>} : memref<16x1024xf32, #tpu.memory_space<vmem>>, vector<16xf32>,
      %neg3A_107 = arith.constant 0.000000e+00 : f32
      %neg3A_108 = vector.broadcast %neg3A_107 : f32 to vector<16xf32>
      %neg3A_109 = arith.subf %neg3A_108, %get3A_106 : vector<16xf32>
      %exp3A_110 = math.exp %neg3A_109 : vector<16xf32>
      %add3A_111 = arith.constant 1.000000e+00 : f32
      %add3A_112 = vector.broadcast %add3A_111 : f32 to vector<16xf32>
      %add3A_113 = arith.addf %add3A_112, %exp3A_110 : vector<16xf32>
      %div3A_114 = arith.constant 1.000000e+00 : f32
      %div3A_115 = vector.broadcast %div3A_114 : f32 to vector<16xf32>
      %div3A_116 = arith.divf %div3A_115, %add3A_113 : vector<16xf32>
      %get3A_117 = arith.constant 7 : i32
      %get3A_118 = arith.index_cast %get3A_117 : i32 to index
      %get3A_119 = arith.index_cast %mul3A_22 : i32 to index
      %get3A_120 = tpu.vector_load %arg7[%get3A_118, %get3A_119] {strides = array<i32>} : memref<16x1024xf32, #tpu.memory_space<vmem>>, vector<16xf32>,
      %neg3A_121 = arith.constant 0.000000e+00 : f32
      %neg3A_122 = vector.broadcast %neg3A_121 : f32 to vector<16xf32>
      %neg3A_123 = arith.subf %neg3A_122, %get3A_120 : vector<16xf32>
      %exp3A_124 = math.exp %neg3A_123 : vector<16xf32>
      %add3A_125 = arith.constant 1.000000e+00 : f32
      %add3A_126 = vector.broadcast %add3A_125 : f32 to vector<16xf32>
      %add3A_127 = arith.addf %add3A_126, %exp3A_124 : vector<16xf32>
      %div3A_128 = arith.constant 1.000000e+00 : f32
      %div3A_129 = vector.broadcast %div3A_128 : f32 to vector<16xf32>
      %div3A_130 = arith.divf %div3A_129, %add3A_127 : vector<16xf32>
      %get3A_131 = arith.constant 8 : i32
      %get3A_132 = arith.index_cast %get3A_131 : i32 to index
      %get3A_133 = arith.index_cast %mul3A_22 : i32 to index
      %get3A_134 = tpu.vector_load %arg7[%get3A_132, %get3A_133] {strides = array<i32>} : memref<16x1024xf32, #tpu.memory_space<vmem>>, vector<16xf32>,
      %neg3A_135 = arith.constant 0.000000e+00 : f32
      %neg3A_136 = vector.broadcast %neg3A_135 : f32 to vector<16xf32>
      %neg3A_137 = arith.subf %neg3A_136, %get3A_134 : vector<16xf32>
      %exp3A_138 = math.exp %neg3A_137 : vector<16xf32>
      %add3A_139 = arith.constant 1.000000e+00 : f32
      %add3A_140 = vector.broadcast %add3A_139 : f32 to vector<16xf32>
      %add3A_141 = arith.addf %add3A_140, %exp3A_138 : vector<16xf32>
      %div3A_142 = arith.constant 1.000000e+00 : f32
      %div3A_143 = vector.broadcast %div3A_142 : f32 to vector<16xf32>
      %div3A_144 = arith.divf %div3A_143, %add3A_141 : vector<16xf32>
      %get3A_145 = arith.constant 9 : i32
      %get3A_146 = arith.index_cast %get3A_145 : i32 to index
      %get3A_147 = arith.index_cast %mul3A_22 : i32 to index
      %get3A_148 = tpu.vector_load %arg7[%get3A_146, %get3A_147] {strides = array<i32>} : memref<16x1024xf32, #tpu.memory_space<vmem>>, vector<16xf32>,
      %neg3A_149 = arith.constant 0.000000e+00 : f32
      %neg3A_150 = vector.broadcast %neg3A_149 : f32 to vector<16xf32>
      %neg3A_151 = arith.subf %neg3A_150, %get3A_148 : vector<16xf32>
      %exp3A_152 = math.exp %neg3A_151 : vector<16xf32>
      %add3A_153 = arith.constant 1.000000e+00 : f32
      %add3A_154 = vector.broadcast %add3A_153 : f32 to vector<16xf32>
      %add3A_155 = arith.addf %add3A_154, %exp3A_152 : vector<16xf32>
      %div3A_156 = arith.constant 1.000000e+00 : f32
      %div3A_157 = vector.broadcast %div3A_156 : f32 to vector<16xf32>
      %div3A_158 = arith.divf %div3A_157, %add3A_155 : vector<16xf32>
      %get3A_159 = arith.constant 10 : i32
      %get3A_160 = arith.index_cast %get3A_159 : i32 to index
      %get3A_161 = arith.index_cast %mul3A_22 : i32 to index
      %get3A_162 = tpu.vector_load %arg7[%get3A_160, %get3A_161] {strides = array<i32>} : memref<16x1024xf32, #tpu.memory_space<vmem>>, vector<16xf32>,
      %neg3A_163 = arith.constant 0.000000e+00 : f32
      %neg3A_164 = vector.broadcast %neg3A_163 : f32 to vector<16xf32>
      %neg3A_165 = arith.subf %neg3A_164, %get3A_162 : vector<16xf32>
      %exp3A_166 = math.exp %neg3A_165 : vector<16xf32>
      %add3A_167 = arith.constant 1.000000e+00 : f32
      %add3A_168 = vector.broadcast %add3A_167 : f32 to vector<16xf32>
      %add3A_169 = arith.addf %add3A_168, %exp3A_166 : vector<16xf32>
      %div3A_170 = arith.constant 1.000000e+00 : f32
      %div3A_171 = vector.broadcast %div3A_170 : f32 to vector<16xf32>
      %div3A_172 = arith.divf %div3A_171, %add3A_169 : vector<16xf32>
      %get3A_173 = arith.constant 11 : i32
      %get3A_174 = arith.index_cast %get3A_173 : i32 to index
      %get3A_175 = arith.index_cast %mul3A_22 : i32 to index
      %get3A_176 = tpu.vector_load %arg7[%get3A_174, %get3A_175] {strides = array<i32>} : memref<16x1024xf32, #tpu.memory_space<vmem>>, vector<16xf32>,
      %neg3A_177 = arith.constant 0.000000e+00 : f32
      %neg3A_178 = vector.broadcast %neg3A_177 : f32 to vector<16xf32>
      %neg3A_179 = arith.subf %neg3A_178, %get3A_176 : vector<16xf32>
      %exp3A_180 = math.exp %neg3A_179 : vector<16xf32>
      %add3A_181 = arith.constant 1.000000e+00 : f32
      %add3A_182 = vector.broadcast %add3A_181 : f32 to vector<16xf32>
      %add3A_183 = arith.addf %add3A_182, %exp3A_180 : vector<16xf32>
      %div3A_184 = arith.constant 1.000000e+00 : f32
      %div3A_185 = vector.broadcast %div3A_184 : f32 to vector<16xf32>
      %div3A_186 = arith.divf %div3A_185, %add3A_183 : vector<16xf32>
      %get3A_187 = arith.constant 12 : i32
      %get3A_188 = arith.index_cast %get3A_187 : i32 to index
      %get3A_189 = arith.index_cast %mul3A_22 : i32 to index
      %get3A_190 = tpu.vector_load %arg7[%get3A_188, %get3A_189] {strides = array<i32>} : memref<16x1024xf32, #tpu.memory_space<vmem>>, vector<16xf32>,
      %neg3A_191 = arith.constant 0.000000e+00 : f32
      %neg3A_192 = vector.broadcast %neg3A_191 : f32 to vector<16xf32>
      %neg3A_193 = arith.subf %neg3A_192, %get3A_190 : vector<16xf32>
      %exp3A_194 = math.exp %neg3A_193 : vector<16xf32>
      %add3A_195 = arith.constant 1.000000e+00 : f32
      %add3A_196 = vector.broadcast %add3A_195 : f32 to vector<16xf32>
      %add3A_197 = arith.addf %add3A_196, %exp3A_194 : vector<16xf32>
      %div3A_198 = arith.constant 1.000000e+00 : f32
      %div3A_199 = vector.broadcast %div3A_198 : f32 to vector<16xf32>
      %div3A_200 = arith.divf %div3A_199, %add3A_197 : vector<16xf32>
      %get3A_201 = arith.constant 13 : i32
      %get3A_202 = arith.index_cast %get3A_201 : i32 to index
      %get3A_203 = arith.index_cast %mul3A_22 : i32 to index
      %get3A_204 = tpu.vector_load %arg7[%get3A_202, %get3A_203] {strides = array<i32>} : memref<16x1024xf32, #tpu.memory_space<vmem>>, vector<16xf32>,
      %neg3A_205 = arith.constant 0.000000e+00 : f32
      %neg3A_206 = vector.broadcast %neg3A_205 : f32 to vector<16xf32>
      %neg3A_207 = arith.subf %neg3A_206, %get3A_204 : vector<16xf32>
      %exp3A_208 = math.exp %neg3A_207 : vector<16xf32>
      %add3A_209 = arith.constant 1.000000e+00 : f32
      %add3A_210 = vector.broadcast %add3A_209 : f32 to vector<16xf32>
      %add3A_211 = arith.addf %add3A_210, %exp3A_208 : vector<16xf32>
      %div3A_212 = arith.constant 1.000000e+00 : f32
      %div3A_213 = vector.broadcast %div3A_212 : f32 to vector<16xf32>
      %div3A_214 = arith.divf %div3A_213, %add3A_211 : vector<16xf32>
      %get3A_215 = arith.constant 14 : i32
      %get3A_216 = arith.index_cast %get3A_215 : i32 to index
      %get3A_217 = arith.index_cast %mul3A_22 : i32 to index
      %get3A_218 = tpu.vector_load %arg7[%get3A_216, %get3A_217] {strides = array<i32>} : memref<16x1024xf32, #tpu.memory_space<vmem>>, vector<16xf32>,
      %neg3A_219 = arith.constant 0.000000e+00 : f32
      %neg3A_220 = vector.broadcast %neg3A_219 : f32 to vector<16xf32>
      %neg3A_221 = arith.subf %neg3A_220, %get3A_218 : vector<16xf32>
      %exp3A_222 = math.exp %neg3A_221 : vector<16xf32>
      %add3A_223 = arith.constant 1.000000e+00 : f32
      %add3A_224 = vector.broadcast %add3A_223 : f32 to vector<16xf32>
      %add3A_225 = arith.addf %add3A_224, %exp3A_222 : vector<16xf32>
      %div3A_226 = arith.constant 1.000000e+00 : f32
      %div3A_227 = vector.broadcast %div3A_226 : f32 to vector<16xf32>
      %div3A_228 = arith.divf %div3A_227, %add3A_225 : vector<16xf32>
      %get3A_229 = arith.constant 15 : i32
      %get3A_230 = arith.index_cast %get3A_229 : i32 to index
      %get3A_231 = arith.index_cast %mul3A_22 : i32 to index
      %get3A_232 = tpu.vector_load %arg7[%get3A_230, %get3A_231] {strides = array<i32>} : memref<16x1024xf32, #tpu.memory_space<vmem>>, vector<16xf32>,
      %neg3A_233 = arith.constant 0.000000e+00 : f32
      %neg3A_234 = vector.broadcast %neg3A_233 : f32 to vector<16xf32>
      %neg3A_235 = arith.subf %neg3A_234, %get3A_232 : vector<16xf32>
      %exp3A_236 = math.exp %neg3A_235 : vector<16xf32>
      %add3A_237 = arith.constant 1.000000e+00 : f32
      %add3A_238 = vector.broadcast %add3A_237 : f32 to vector<16xf32>
      %add3A_239 = arith.addf %add3A_238, %exp3A_236 : vector<16xf32>
      %div3A_240 = arith.constant 1.000000e+00 : f32
      %div3A_241 = vector.broadcast %div3A_240 : f32 to vector<16xf32>
      %div3A_242 = arith.divf %div3A_241, %add3A_239 : vector<16xf32>
      %swap3A = arith.constant 0 : i32
      %swap3A_243 = arith.index_cast %swap3A : i32 to index
      %swap3A_244 = arith.index_cast %mul3A_22 : i32 to index
      %swap3A_245 = tpu.vector_load %arg7[%swap3A_243, %swap3A_244] {strides = array<i32>} : memref<16x1024xf32, #tpu.memory_space<vmem>>, vector<16xf32>,
      tpu.vector_store %arg7[%swap3A_243, %swap3A_244], %div3A_32 {strides = array<i32>} : memref<16x1024xf32, #tpu.memory_space<vmem>>, vector<16xf32>,
      %swap3A_246 = arith.constant 1 : i32
      %swap3A_247 = arith.index_cast %swap3A_246 : i32 to index
      %swap3A_248 = arith.index_cast %mul3A_22 : i32 to index
      %swap3A_249 = tpu.vector_load %arg7[%swap3A_247, %swap3A_248] {strides = array<i32>} : memref<16x1024xf32, #tpu.memory_space<vmem>>, vector<16xf32>,
      tpu.vector_store %arg7[%swap3A_247, %swap3A_248], %div3A_46 {strides = array<i32>} : memref<16x1024xf32, #tpu.memory_space<vmem>>, vector<16xf32>,
      %swap3A_250 = arith.constant 2 : i32
      %swap3A_251 = arith.index_cast %swap3A_250 : i32 to index
      %swap3A_252 = arith.index_cast %mul3A_22 : i32 to index
      %swap3A_253 = tpu.vector_load %arg7[%swap3A_251, %swap3A_252] {strides = array<i32>} : memref<16x1024xf32, #tpu.memory_space<vmem>>, vector<16xf32>,
      tpu.vector_store %arg7[%swap3A_251, %swap3A_252], %div3A_60 {strides = array<i32>} : memref<16x1024xf32, #tpu.memory_space<vmem>>, vector<16xf32>,
      %swap3A_254 = arith.constant 3 : i32
      %swap3A_255 = arith.index_cast %swap3A_254 : i32 to index
      %swap3A_256 = arith.index_cast %mul3A_22 : i32 to index
      %swap3A_257 = tpu.vector_load %arg7[%swap3A_255, %swap3A_256] {strides = array<i32>} : memref<16x1024xf32, #tpu.memory_space<vmem>>, vector<16xf32>,
      tpu.vector_store %arg7[%swap3A_255, %swap3A_256], %div3A_74 {strides = array<i32>} : memref<16x1024xf32, #tpu.memory_space<vmem>>, vector<16xf32>,
      %swap3A_258 = arith.constant 4 : i32
      %swap3A_259 = arith.index_cast %swap3A_258 : i32 to index
      %swap3A_260 = arith.index_cast %mul3A_22 : i32 to index
      %swap3A_261 = tpu.vector_load %arg7[%swap3A_259, %swap3A_260] {strides = array<i32>} : memref<16x1024xf32, #tpu.memory_space<vmem>>, vector<16xf32>,
      tpu.vector_store %arg7[%swap3A_259, %swap3A_260], %div3A_88 {strides = array<i32>} : memref<16x1024xf32, #tpu.memory_space<vmem>>, vector<16xf32>,
      %swap3A_262 = arith.constant 5 : i32
      %swap3A_263 = arith.index_cast %swap3A_262 : i32 to index
      %swap3A_264 = arith.index_cast %mul3A_22 : i32 to index
      %swap3A_265 = tpu.vector_load %arg7[%swap3A_263, %swap3A_264] {strides = array<i32>} : memref<16x1024xf32, #tpu.memory_space<vmem>>, vector<16xf32>,
      tpu.vector_store %arg7[%swap3A_263, %swap3A_264], %div3A_102 {strides = array<i32>} : memref<16x1024xf32, #tpu.memory_space<vmem>>, vector<16xf32>,
      %swap3A_266 = arith.constant 6 : i32
      %swap3A_267 = arith.index_cast %swap3A_266 : i32 to index
      %swap3A_268 = arith.index_cast %mul3A_22 : i32 to index
      %swap3A_269 = tpu.vector_load %arg7[%swap3A_267, %swap3A_268] {strides = array<i32>} : memref<16x1024xf32, #tpu.memory_space<vmem>>, vector<16xf32>,
      tpu.vector_store %arg7[%swap3A_267, %swap3A_268], %div3A_116 {strides = array<i32>} : memref<16x1024xf32, #tpu.memory_space<vmem>>, vector<16xf32>,
      %swap3A_270 = arith.constant 7 : i32
      %swap3A_271 = arith.index_cast %swap3A_270 : i32 to index
      %swap3A_272 = arith.index_cast %mul3A_22 : i32 to index
      %swap3A_273 = tpu.vector_load %arg7[%swap3A_271, %swap3A_272] {strides = array<i32>} : memref<16x1024xf32, #tpu.memory_space<vmem>>, vector<16xf32>,
      tpu.vector_store %arg7[%swap3A_271, %swap3A_272], %div3A_130 {strides = array<i32>} : memref<16x1024xf32, #tpu.memory_space<vmem>>, vector<16xf32>,
      %swap3A_274 = arith.constant 8 : i32
      %swap3A_275 = arith.index_cast %swap3A_274 : i32 to index
      %swap3A_276 = arith.index_cast %mul3A_22 : i32 to index
      %swap3A_277 = tpu.vector_load %arg7[%swap3A_275, %swap3A_276] {strides = array<i32>} : memref<16x1024xf32, #tpu.memory_space<vmem>>, vector<16xf32>,
      tpu.vector_store %arg7[%swap3A_275, %swap3A_276], %div3A_144 {strides = array<i32>} : memref<16x1024xf32, #tpu.memory_space<vmem>>, vector<16xf32>,
      %swap3A_278 = arith.constant 9 : i32
      %swap3A_279 = arith.index_cast %swap3A_278 : i32 to index
      %swap3A_280 = arith.index_cast %mul3A_22 : i32 to index
      %swap3A_281 = tpu.vector_load %arg7[%swap3A_279, %swap3A_280] {strides = array<i32>} : memref<16x1024xf32, #tpu.memory_space<vmem>>, vector<16xf32>,
      tpu.vector_store %arg7[%swap3A_279, %swap3A_280], %div3A_158 {strides = array<i32>} : memref<16x1024xf32, #tpu.memory_space<vmem>>, vector<16xf32>,
      %swap3A_282 = arith.constant 10 : i32
      %swap3A_283 = arith.index_cast %swap3A_282 : i32 to index
      %swap3A_284 = arith.index_cast %mul3A_22 : i32 to index
      %swap3A_285 = tpu.vector_load %arg7[%swap3A_283, %swap3A_284] {strides = array<i32>} : memref<16x1024xf32, #tpu.memory_space<vmem>>, vector<16xf32>,
      tpu.vector_store %arg7[%swap3A_283, %swap3A_284], %div3A_172 {strides = array<i32>} : memref<16x1024xf32, #tpu.memory_space<vmem>>, vector<16xf32>,
      %swap3A_286 = arith.constant 11 : i32
      %swap3A_287 = arith.index_cast %swap3A_286 : i32 to index
      %swap3A_288 = arith.index_cast %mul3A_22 : i32 to index
      %swap3A_289 = tpu.vector_load %arg7[%swap3A_287, %swap3A_288] {strides = array<i32>} : memref<16x1024xf32, #tpu.memory_space<vmem>>, vector<16xf32>,
      tpu.vector_store %arg7[%swap3A_287, %swap3A_288], %div3A_186 {strides = array<i32>} : memref<16x1024xf32, #tpu.memory_space<vmem>>, vector<16xf32>,
      %swap3A_290 = arith.constant 12 : i32
      %swap3A_291 = arith.index_cast %swap3A_290 : i32 to index
      %swap3A_292 = arith.index_cast %mul3A_22 : i32 to index
      %swap3A_293 = tpu.vector_load %arg7[%swap3A_291, %swap3A_292] {strides = array<i32>} : memref<16x1024xf32, #tpu.memory_space<vmem>>, vector<16xf32>,
      tpu.vector_store %arg7[%swap3A_291, %swap3A_292], %div3A_200 {strides = array<i32>} : memref<16x1024xf32, #tpu.memory_space<vmem>>, vector<16xf32>,
      %swap3A_294 = arith.constant 13 : i32
      %swap3A_295 = arith.index_cast %swap3A_294 : i32 to index
      %swap3A_296 = arith.index_cast %mul3A_22 : i32 to index
      %swap3A_297 = tpu.vector_load %arg7[%swap3A_295, %swap3A_296] {strides = array<i32>} : memref<16x1024xf32, #tpu.memory_space<vmem>>, vector<16xf32>,
      tpu.vector_store %arg7[%swap3A_295, %swap3A_296], %div3A_214 {strides = array<i32>} : memref<16x1024xf32, #tpu.memory_space<vmem>>, vector<16xf32>,
      %swap3A_298 = arith.constant 14 : i32
      %swap3A_299 = arith.index_cast %swap3A_298 : i32 to index
      %swap3A_300 = arith.index_cast %mul3A_22 : i32 to index
      %swap3A_301 = tpu.vector_load %arg7[%swap3A_299, %swap3A_300] {strides = array<i32>} : memref<16x1024xf32, #tpu.memory_space<vmem>>, vector<16xf32>,
      tpu.vector_store %arg7[%swap3A_299, %swap3A_300], %div3A_228 {strides = array<i32>} : memref<16x1024xf32, #tpu.memory_space<vmem>>, vector<16xf32>,
      %swap3A_302 = arith.constant 15 : i32
      %swap3A_303 = arith.index_cast %swap3A_302 : i32 to index
      %swap3A_304 = arith.index_cast %mul3A_22 : i32 to index
      %swap3A_305 = tpu.vector_load %arg7[%swap3A_303, %swap3A_304] {strides = array<i32>} : memref<16x1024xf32, #tpu.memory_space<vmem>>, vector<16xf32>,
      tpu.vector_store %arg7[%swap3A_303, %swap3A_304], %div3A_242 {strides = array<i32>} : memref<16x1024xf32, #tpu.memory_space<vmem>>, vector<16xf32>,
      %add3A_306 = arith.addf %div3A_32, %div3A_46 : vector<16xf32>
      %add3A_307 = arith.addf %div3A_60, %div3A_74 : vector<16xf32>
      %add3A_308 = arith.addf %div3A_88, %div3A_102 : vector<16xf32>
      %add3A_309 = arith.addf %div3A_116, %div3A_130 : vector<16xf32>
      %add3A_310 = arith.addf %div3A_144, %div3A_158 : vector<16xf32>
      %add3A_311 = arith.addf %div3A_172, %div3A_186 : vector<16xf32>
      %add3A_312 = arith.addf %div3A_200, %div3A_214 : vector<16xf32>
      %add3A_313 = arith.addf %div3A_228, %div3A_242 : vector<16xf32>
      %add3A_314 = arith.addf %add3A_306, %add3A_307 : vector<16xf32>
      %add3A_315 = arith.addf %add3A_308, %add3A_309 : vector<16xf32>
      %add3A_316 = arith.addf %add3A_310, %add3A_311 : vector<16xf32>
      %add3A_317 = arith.addf %add3A_312, %add3A_313 : vector<16xf32>
      %add3A_318 = arith.addf %add3A_314, %add3A_315 : vector<16xf32>
      %add3A_319 = arith.addf %add3A_316, %add3A_317 : vector<16xf32>
      %add3A_320 = arith.addf %add3A_318, %add3A_319 : vector<16xf32>
      %swap3A_321 = arith.index_cast %mul3A_22 : i32 to index
      %swap3A_322 = tpu.vector_load %arg8[%swap3A_321] {strides = array<i32>} : memref<1024xf32, #tpu.memory_space<vmem>>, vector<16xf32>,
      tpu.vector_store %arg8[%swap3A_321], %add3A_320 {strides = array<i32>} : memref<1024xf32, #tpu.memory_space<vmem>>, vector<16xf32>,
    }
    %scan3A_7 = arith.constant 64 : i32
    %scan3A_8 = arith.constant 0 : i32
    %scan3A_9 = arith.constant 0 : i32
    %scan3A_10 = arith.constant 8 : i32
    %scan3A_11 = arith.addi %scan3A_9, %scan3A_10 : i32
    %scan3A_12 = arith.constant 1 : i32
    scf.for %scan3A_20 = %scan3A_9 to %scan3A_11 step %scan3A_12  : i32 {
      %get3A = arith.index_cast %scan3A_20 : i32 to index
      %get3A_21 = arith.constant 0 : index
      %get3A_22 = tpu.vector_load %arg6[%get3A, %get3A_21] {strides = array<i32>} : memref<8x16xf32, #tpu.memory_space<vmem>>, vector<16xf32>,
      %neg3A = arith.constant 0.000000e+00 : f32
      %neg3A_23 = vector.broadcast %neg3A : f32 to vector<16xf32>
      %neg3A_24 = arith.subf %neg3A_23, %get3A_22 : vector<16xf32>
      %exp3A = math.exp %neg3A_24 : vector<16xf32>
      %add3A_25 = arith.constant 1.000000e+00 : f32
      %add3A_26 = vector.broadcast %add3A_25 : f32 to vector<16xf32>
      %add3A_27 = arith.addf %add3A_26, %exp3A : vector<16xf32>
      %div3A = arith.constant 1.000000e+00 : f32
      %div3A_28 = vector.broadcast %div3A : f32 to vector<16xf32>
      %div3A_29 = arith.divf %div3A_28, %add3A_27 : vector<16xf32>
      %slice3A = vector.extract_strided_slice %div3A_29 {offsets = [0], sizes = [1], strides = [1]} : vector<16xf32> to vector<1xf32>
      %squeeze3A = vector.extract %slice3A[0] : f32 from vector<1xf32>
      %slice3A_30 = vector.extract_strided_slice %div3A_29 {offsets = [0], sizes = [1], strides = [1]} : vector<16xf32> to vector<1xf32>
      %squeeze3A_31 = vector.extract %slice3A_30[0] : f32 from vector<1xf32>
      %swap3A = arith.constant 0 : i32
      %swap3A_32 = arith.index_cast %scan3A_20 : i32 to index
      %swap3A_33 = arith.index_cast %swap3A : i32 to index
      %swap3A_34 = memref.load %arg11[%swap3A_32, %swap3A_33] : memref<8x17xf32, #tpu.memory_space<smem>>
      memref.store %squeeze3A_31, %arg11[%swap3A_32, %swap3A_33] : memref<8x17xf32, #tpu.memory_space<smem>>
      %slice3A_35 = vector.extract_strided_slice %div3A_29 {offsets = [1], sizes = [1], strides = [1]} : vector<16xf32> to vector<1xf32>
      %squeeze3A_36 = vector.extract %slice3A_35[0] : f32 from vector<1xf32>
      %swap3A_37 = arith.constant 1 : i32
      %swap3A_38 = arith.index_cast %scan3A_20 : i32 to index
      %swap3A_39 = arith.index_cast %swap3A_37 : i32 to index
      %swap3A_40 = memref.load %arg11[%swap3A_38, %swap3A_39] : memref<8x17xf32, #tpu.memory_space<smem>>
      memref.store %squeeze3A_36, %arg11[%swap3A_38, %swap3A_39] : memref<8x17xf32, #tpu.memory_space<smem>>
      %slice3A_41 = vector.extract_strided_slice %div3A_29 {offsets = [1], sizes = [1], strides = [1]} : vector<16xf32> to vector<1xf32>
      %squeeze3A_42 = vector.extract %slice3A_41[0] : f32 from vector<1xf32>
      %add3A_43 = arith.addf %squeeze3A, %squeeze3A_42 : f32
      %slice3A_44 = vector.extract_strided_slice %div3A_29 {offsets = [2], sizes = [1], strides = [1]} : vector<16xf32> to vector<1xf32>
      %squeeze3A_45 = vector.extract %slice3A_44[0] : f32 from vector<1xf32>
      %swap3A_46 = arith.constant 2 : i32
      %swap3A_47 = arith.index_cast %scan3A_20 : i32 to index
      %swap3A_48 = arith.index_cast %swap3A_46 : i32 to index
      %swap3A_49 = memref.load %arg11[%swap3A_47, %swap3A_48] : memref<8x17xf32, #tpu.memory_space<smem>>
      memref.store %squeeze3A_45, %arg11[%swap3A_47, %swap3A_48] : memref<8x17xf32, #tpu.memory_space<smem>>
      %slice3A_50 = vector.extract_strided_slice %div3A_29 {offsets = [2], sizes = [1], strides = [1]} : vector<16xf32> to vector<1xf32>
      %squeeze3A_51 = vector.extract %slice3A_50[0] : f32 from vector<1xf32>
      %add3A_52 = arith.addf %add3A_43, %squeeze3A_51 : f32
      %slice3A_53 = vector.extract_strided_slice %div3A_29 {offsets = [3], sizes = [1], strides = [1]} : vector<16xf32> to vector<1xf32>
      %squeeze3A_54 = vector.extract %slice3A_53[0] : f32 from vector<1xf32>
      %swap3A_55 = arith.constant 3 : i32
      %swap3A_56 = arith.index_cast %scan3A_20 : i32 to index
      %swap3A_57 = arith.index_cast %swap3A_55 : i32 to index
      %swap3A_58 = memref.load %arg11[%swap3A_56, %swap3A_57] : memref<8x17xf32, #tpu.memory_space<smem>>
      memref.store %squeeze3A_54, %arg11[%swap3A_56, %swap3A_57] : memref<8x17xf32, #tpu.memory_space<smem>>
      %slice3A_59 = vector.extract_strided_slice %div3A_29 {offsets = [3], sizes = [1], strides = [1]} : vector<16xf32> to vector<1xf32>
      %squeeze3A_60 = vector.extract %slice3A_59[0] : f32 from vector<1xf32>
      %add3A_61 = arith.addf %add3A_52, %squeeze3A_60 : f32
      %slice3A_62 = vector.extract_strided_slice %div3A_29 {offsets = [4], sizes = [1], strides = [1]} : vector<16xf32> to vector<1xf32>
      %squeeze3A_63 = vector.extract %slice3A_62[0] : f32 from vector<1xf32>
      %swap3A_64 = arith.constant 4 : i32
      %swap3A_65 = arith.index_cast %scan3A_20 : i32 to index
      %swap3A_66 = arith.index_cast %swap3A_64 : i32 to index
      %swap3A_67 = memref.load %arg11[%swap3A_65, %swap3A_66] : memref<8x17xf32, #tpu.memory_space<smem>>
      memref.store %squeeze3A_63, %arg11[%swap3A_65, %swap3A_66] : memref<8x17xf32, #tpu.memory_space<smem>>
      %slice3A_68 = vector.extract_strided_slice %div3A_29 {offsets = [4], sizes = [1], strides = [1]} : vector<16xf32> to vector<1xf32>
      %squeeze3A_69 = vector.extract %slice3A_68[0] : f32 from vector<1xf32>
      %add3A_70 = arith.addf %add3A_61, %squeeze3A_69 : f32
      %slice3A_71 = vector.extract_strided_slice %div3A_29 {offsets = [5], sizes = [1], strides = [1]} : vector<16xf32> to vector<1xf32>
      %squeeze3A_72 = vector.extract %slice3A_71[0] : f32 from vector<1xf32>
      %swap3A_73 = arith.constant 5 : i32
      %swap3A_74 = arith.index_cast %scan3A_20 : i32 to index
      %swap3A_75 = arith.index_cast %swap3A_73 : i32 to index
      %swap3A_76 = memref.load %arg11[%swap3A_74, %swap3A_75] : memref<8x17xf32, #tpu.memory_space<smem>>
      memref.store %squeeze3A_72, %arg11[%swap3A_74, %swap3A_75] : memref<8x17xf32, #tpu.memory_space<smem>>
      %slice3A_77 = vector.extract_strided_slice %div3A_29 {offsets = [5], sizes = [1], strides = [1]} : vector<16xf32> to vector<1xf32>
      %squeeze3A_78 = vector.extract %slice3A_77[0] : f32 from vector<1xf32>
      %add3A_79 = arith.addf %add3A_70, %squeeze3A_78 : f32
      %slice3A_80 = vector.extract_strided_slice %div3A_29 {offsets = [6], sizes = [1], strides = [1]} : vector<16xf32> to vector<1xf32>
      %squeeze3A_81 = vector.extract %slice3A_80[0] : f32 from vector<1xf32>
      %swap3A_82 = arith.constant 6 : i32
      %swap3A_83 = arith.index_cast %scan3A_20 : i32 to index
      %swap3A_84 = arith.index_cast %swap3A_82 : i32 to index
      %swap3A_85 = memref.load %arg11[%swap3A_83, %swap3A_84] : memref<8x17xf32, #tpu.memory_space<smem>>
      memref.store %squeeze3A_81, %arg11[%swap3A_83, %swap3A_84] : memref<8x17xf32, #tpu.memory_space<smem>>
      %slice3A_86 = vector.extract_strided_slice %div3A_29 {offsets = [6], sizes = [1], strides = [1]} : vector<16xf32> to vector<1xf32>
      %squeeze3A_87 = vector.extract %slice3A_86[0] : f32 from vector<1xf32>
      %add3A_88 = arith.addf %add3A_79, %squeeze3A_87 : f32
      %slice3A_89 = vector.extract_strided_slice %div3A_29 {offsets = [7], sizes = [1], strides = [1]} : vector<16xf32> to vector<1xf32>
      %squeeze3A_90 = vector.extract %slice3A_89[0] : f32 from vector<1xf32>
      %swap3A_91 = arith.constant 7 : i32
      %swap3A_92 = arith.index_cast %scan3A_20 : i32 to index
      %swap3A_93 = arith.index_cast %swap3A_91 : i32 to index
      %swap3A_94 = memref.load %arg11[%swap3A_92, %swap3A_93] : memref<8x17xf32, #tpu.memory_space<smem>>
      memref.store %squeeze3A_90, %arg11[%swap3A_92, %swap3A_93] : memref<8x17xf32, #tpu.memory_space<smem>>
      %slice3A_95 = vector.extract_strided_slice %div3A_29 {offsets = [7], sizes = [1], strides = [1]} : vector<16xf32> to vector<1xf32>
      %squeeze3A_96 = vector.extract %slice3A_95[0] : f32 from vector<1xf32>
      %add3A_97 = arith.addf %add3A_88, %squeeze3A_96 : f32
      %slice3A_98 = vector.extract_strided_slice %div3A_29 {offsets = [8], sizes = [1], strides = [1]} : vector<16xf32> to vector<1xf32>
      %squeeze3A_99 = vector.extract %slice3A_98[0] : f32 from vector<1xf32>
      %swap3A_100 = arith.constant 8 : i32
      %swap3A_101 = arith.index_cast %scan3A_20 : i32 to index
      %swap3A_102 = arith.index_cast %swap3A_100 : i32 to index
      %swap3A_103 = memref.load %arg11[%swap3A_101, %swap3A_102] : memref<8x17xf32, #tpu.memory_space<smem>>
      memref.store %squeeze3A_99, %arg11[%swap3A_101, %swap3A_102] : memref<8x17xf32, #tpu.memory_space<smem>>
      %slice3A_104 = vector.extract_strided_slice %div3A_29 {offsets = [8], sizes = [1], strides = [1]} : vector<16xf32> to vector<1xf32>
      %squeeze3A_105 = vector.extract %slice3A_104[0] : f32 from vector<1xf32>
      %add3A_106 = arith.addf %add3A_97, %squeeze3A_105 : f32
      %slice3A_107 = vector.extract_strided_slice %div3A_29 {offsets = [9], sizes = [1], strides = [1]} : vector<16xf32> to vector<1xf32>
      %squeeze3A_108 = vector.extract %slice3A_107[0] : f32 from vector<1xf32>
      %swap3A_109 = arith.constant 9 : i32
      %swap3A_110 = arith.index_cast %scan3A_20 : i32 to index
      %swap3A_111 = arith.index_cast %swap3A_109 : i32 to index
      %swap3A_112 = memref.load %arg11[%swap3A_110, %swap3A_111] : memref<8x17xf32, #tpu.memory_space<smem>>
      memref.store %squeeze3A_108, %arg11[%swap3A_110, %swap3A_111] : memref<8x17xf32, #tpu.memory_space<smem>>
      %slice3A_113 = vector.extract_strided_slice %div3A_29 {offsets = [9], sizes = [1], strides = [1]} : vector<16xf32> to vector<1xf32>
      %squeeze3A_114 = vector.extract %slice3A_113[0] : f32 from vector<1xf32>
      %add3A_115 = arith.addf %add3A_106, %squeeze3A_114 : f32
      %slice3A_116 = vector.extract_strided_slice %div3A_29 {offsets = [10], sizes = [1], strides = [1]} : vector<16xf32> to vector<1xf32>
      %squeeze3A_117 = vector.extract %slice3A_116[0] : f32 from vector<1xf32>
      %swap3A_118 = arith.constant 10 : i32
      %swap3A_119 = arith.index_cast %scan3A_20 : i32 to index
      %swap3A_120 = arith.index_cast %swap3A_118 : i32 to index
      %swap3A_121 = memref.load %arg11[%swap3A_119, %swap3A_120] : memref<8x17xf32, #tpu.memory_space<smem>>
      memref.store %squeeze3A_117, %arg11[%swap3A_119, %swap3A_120] : memref<8x17xf32, #tpu.memory_space<smem>>
      %slice3A_122 = vector.extract_strided_slice %div3A_29 {offsets = [10], sizes = [1], strides = [1]} : vector<16xf32> to vector<1xf32>
      %squeeze3A_123 = vector.extract %slice3A_122[0] : f32 from vector<1xf32>
      %add3A_124 = arith.addf %add3A_115, %squeeze3A_123 : f32
      %slice3A_125 = vector.extract_strided_slice %div3A_29 {offsets = [11], sizes = [1], strides = [1]} : vector<16xf32> to vector<1xf32>
      %squeeze3A_126 = vector.extract %slice3A_125[0] : f32 from vector<1xf32>
      %swap3A_127 = arith.constant 11 : i32
      %swap3A_128 = arith.index_cast %scan3A_20 : i32 to index
      %swap3A_129 = arith.index_cast %swap3A_127 : i32 to index
      %swap3A_130 = memref.load %arg11[%swap3A_128, %swap3A_129] : memref<8x17xf32, #tpu.memory_space<smem>>
      memref.store %squeeze3A_126, %arg11[%swap3A_128, %swap3A_129] : memref<8x17xf32, #tpu.memory_space<smem>>
      %slice3A_131 = vector.extract_strided_slice %div3A_29 {offsets = [11], sizes = [1], strides = [1]} : vector<16xf32> to vector<1xf32>
      %squeeze3A_132 = vector.extract %slice3A_131[0] : f32 from vector<1xf32>
      %add3A_133 = arith.addf %add3A_124, %squeeze3A_132 : f32
      %slice3A_134 = vector.extract_strided_slice %div3A_29 {offsets = [12], sizes = [1], strides = [1]} : vector<16xf32> to vector<1xf32>
      %squeeze3A_135 = vector.extract %slice3A_134[0] : f32 from vector<1xf32>
      %swap3A_136 = arith.constant 12 : i32
      %swap3A_137 = arith.index_cast %scan3A_20 : i32 to index
      %swap3A_138 = arith.index_cast %swap3A_136 : i32 to index
      %swap3A_139 = memref.load %arg11[%swap3A_137, %swap3A_138] : memref<8x17xf32, #tpu.memory_space<smem>>
      memref.store %squeeze3A_135, %arg11[%swap3A_137, %swap3A_138] : memref<8x17xf32, #tpu.memory_space<smem>>
      %slice3A_140 = vector.extract_strided_slice %div3A_29 {offsets = [12], sizes = [1], strides = [1]} : vector<16xf32> to vector<1xf32>
      %squeeze3A_141 = vector.extract %slice3A_140[0] : f32 from vector<1xf32>
      %add3A_142 = arith.addf %add3A_133, %squeeze3A_141 : f32
      %slice3A_143 = vector.extract_strided_slice %div3A_29 {offsets = [13], sizes = [1], strides = [1]} : vector<16xf32> to vector<1xf32>
      %squeeze3A_144 = vector.extract %slice3A_143[0] : f32 from vector<1xf32>
      %swap3A_145 = arith.constant 13 : i32
      %swap3A_146 = arith.index_cast %scan3A_20 : i32 to index
      %swap3A_147 = arith.index_cast %swap3A_145 : i32 to index
      %swap3A_148 = memref.load %arg11[%swap3A_146, %swap3A_147] : memref<8x17xf32, #tpu.memory_space<smem>>
      memref.store %squeeze3A_144, %arg11[%swap3A_146, %swap3A_147] : memref<8x17xf32, #tpu.memory_space<smem>>
      %slice3A_149 = vector.extract_strided_slice %div3A_29 {offsets = [13], sizes = [1], strides = [1]} : vector<16xf32> to vector<1xf32>
      %squeeze3A_150 = vector.extract %slice3A_149[0] : f32 from vector<1xf32>
      %add3A_151 = arith.addf %add3A_142, %squeeze3A_150 : f32
      %slice3A_152 = vector.extract_strided_slice %div3A_29 {offsets = [14], sizes = [1], strides = [1]} : vector<16xf32> to vector<1xf32>
      %squeeze3A_153 = vector.extract %slice3A_152[0] : f32 from vector<1xf32>
      %swap3A_154 = arith.constant 14 : i32
      %swap3A_155 = arith.index_cast %scan3A_20 : i32 to index
      %swap3A_156 = arith.index_cast %swap3A_154 : i32 to index
      %swap3A_157 = memref.load %arg11[%swap3A_155, %swap3A_156] : memref<8x17xf32, #tpu.memory_space<smem>>
      memref.store %squeeze3A_153, %arg11[%swap3A_155, %swap3A_156] : memref<8x17xf32, #tpu.memory_space<smem>>
      %slice3A_158 = vector.extract_strided_slice %div3A_29 {offsets = [14], sizes = [1], strides = [1]} : vector<16xf32> to vector<1xf32>
      %squeeze3A_159 = vector.extract %slice3A_158[0] : f32 from vector<1xf32>
      %add3A_160 = arith.addf %add3A_151, %squeeze3A_159 : f32
      %slice3A_161 = vector.extract_strided_slice %div3A_29 {offsets = [15], sizes = [1], strides = [1]} : vector<16xf32> to vector<1xf32>
      %squeeze3A_162 = vector.extract %slice3A_161[0] : f32 from vector<1xf32>
      %swap3A_163 = arith.constant 15 : i32
      %swap3A_164 = arith.index_cast %scan3A_20 : i32 to index
      %swap3A_165 = arith.index_cast %swap3A_163 : i32 to index
      %swap3A_166 = memref.load %arg11[%swap3A_164, %swap3A_165] : memref<8x17xf32, #tpu.memory_space<smem>>
      memref.store %squeeze3A_162, %arg11[%swap3A_164, %swap3A_165] : memref<8x17xf32, #tpu.memory_space<smem>>
      %slice3A_167 = vector.extract_strided_slice %div3A_29 {offsets = [15], sizes = [1], strides = [1]} : vector<16xf32> to vector<1xf32>
      %squeeze3A_168 = vector.extract %slice3A_167[0] : f32 from vector<1xf32>
      %add3A_169 = arith.addf %add3A_160, %squeeze3A_168 : f32
      %swap3A_170 = arith.constant 16 : i32
      %swap3A_171 = arith.index_cast %scan3A_20 : i32 to index
      %swap3A_172 = arith.index_cast %swap3A_170 : i32 to index
      %swap3A_173 = memref.load %arg11[%swap3A_171, %swap3A_172] : memref<8x17xf32, #tpu.memory_space<smem>>
      memref.store %add3A_169, %arg11[%swap3A_171, %swap3A_172] : memref<8x17xf32, #tpu.memory_space<smem>>
    }
    %scan3A_13 = arith.constant 8 : i32
    %scan3A_14 = arith.constant 0 : i32
    %scan3A_15 = arith.constant 0 : i32
    %scan3A_16 = arith.constant 64 : i32
    %scan3A_17 = arith.addi %scan3A_15, %scan3A_16 : i32
    %scan3A_18 = arith.constant 1 : i32
    scf.for %scan3A_20 = %scan3A_15 to %scan3A_17 step %scan3A_18  : i32 {
      %mul3A_21 = arith.constant 16 : i32
      %mul3A_22 = arith.muli %scan3A_20, %mul3A_21 : i32
      %get3A = arith.constant 0 : i32
      %get3A_23 = arith.index_cast %get3A : i32 to index
      %get3A_24 = arith.index_cast %mul3A_22 : i32 to index
      %get3A_25 = tpu.vector_load %arg7[%get3A_23, %get3A_24] {strides = array<i32>} : memref<16x1024xf32, #tpu.memory_space<vmem>>, vector<16xf32>,
      %get3A_26 = arith.constant 1 : i32
      %get3A_27 = arith.index_cast %get3A_26 : i32 to index
      %get3A_28 = arith.index_cast %mul3A_22 : i32 to index
      %get3A_29 = tpu.vector_load %arg7[%get3A_27, %get3A_28] {strides = array<i32>} : memref<16x1024xf32, #tpu.memory_space<vmem>>, vector<16xf32>,
      %get3A_30 = arith.constant 2 : i32
      %get3A_31 = arith.index_cast %get3A_30 : i32 to index
      %get3A_32 = arith.index_cast %mul3A_22 : i32 to index
      %get3A_33 = tpu.vector_load %arg7[%get3A_31, %get3A_32] {strides = array<i32>} : memref<16x1024xf32, #tpu.memory_space<vmem>>, vector<16xf32>,
      %get3A_34 = arith.constant 3 : i32
      %get3A_35 = arith.index_cast %get3A_34 : i32 to index
      %get3A_36 = arith.index_cast %mul3A_22 : i32 to index
      %get3A_37 = tpu.vector_load %arg7[%get3A_35, %get3A_36] {strides = array<i32>} : memref<16x1024xf32, #tpu.memory_space<vmem>>, vector<16xf32>,
      %get3A_38 = arith.constant 4 : i32
      %get3A_39 = arith.index_cast %get3A_38 : i32 to index
      %get3A_40 = arith.index_cast %mul3A_22 : i32 to index
      %get3A_41 = tpu.vector_load %arg7[%get3A_39, %get3A_40] {strides = array<i32>} : memref<16x1024xf32, #tpu.memory_space<vmem>>, vector<16xf32>,
      %get3A_42 = arith.constant 5 : i32
      %get3A_43 = arith.index_cast %get3A_42 : i32 to index
      %get3A_44 = arith.index_cast %mul3A_22 : i32 to index
      %get3A_45 = tpu.vector_load %arg7[%get3A_43, %get3A_44] {strides = array<i32>} : memref<16x1024xf32, #tpu.memory_space<vmem>>, vector<16xf32>,
      %get3A_46 = arith.constant 6 : i32
      %get3A_47 = arith.index_cast %get3A_46 : i32 to index
      %get3A_48 = arith.index_cast %mul3A_22 : i32 to index
      %get3A_49 = tpu.vector_load %arg7[%get3A_47, %get3A_48] {strides = array<i32>} : memref<16x1024xf32, #tpu.memory_space<vmem>>, vector<16xf32>,
      %get3A_50 = arith.constant 7 : i32
      %get3A_51 = arith.index_cast %get3A_50 : i32 to index
      %get3A_52 = arith.index_cast %mul3A_22 : i32 to index
      %get3A_53 = tpu.vector_load %arg7[%get3A_51, %get3A_52] {strides = array<i32>} : memref<16x1024xf32, #tpu.memory_space<vmem>>, vector<16xf32>,
      %get3A_54 = arith.constant 8 : i32
      %get3A_55 = arith.index_cast %get3A_54 : i32 to index
      %get3A_56 = arith.index_cast %mul3A_22 : i32 to index
      %get3A_57 = tpu.vector_load %arg7[%get3A_55, %get3A_56] {strides = array<i32>} : memref<16x1024xf32, #tpu.memory_space<vmem>>, vector<16xf32>,
      %get3A_58 = arith.constant 9 : i32
      %get3A_59 = arith.index_cast %get3A_58 : i32 to index
      %get3A_60 = arith.index_cast %mul3A_22 : i32 to index
      %get3A_61 = tpu.vector_load %arg7[%get3A_59, %get3A_60] {strides = array<i32>} : memref<16x1024xf32, #tpu.memory_space<vmem>>, vector<16xf32>,
      %get3A_62 = arith.constant 10 : i32
      %get3A_63 = arith.index_cast %get3A_62 : i32 to index
      %get3A_64 = arith.index_cast %mul3A_22 : i32 to index
      %get3A_65 = tpu.vector_load %arg7[%get3A_63, %get3A_64] {strides = array<i32>} : memref<16x1024xf32, #tpu.memory_space<vmem>>, vector<16xf32>,
      %get3A_66 = arith.constant 11 : i32
      %get3A_67 = arith.index_cast %get3A_66 : i32 to index
      %get3A_68 = arith.index_cast %mul3A_22 : i32 to index
      %get3A_69 = tpu.vector_load %arg7[%get3A_67, %get3A_68] {strides = array<i32>} : memref<16x1024xf32, #tpu.memory_space<vmem>>, vector<16xf32>,
      %get3A_70 = arith.constant 12 : i32
      %get3A_71 = arith.index_cast %get3A_70 : i32 to index
      %get3A_72 = arith.index_cast %mul3A_22 : i32 to index
      %get3A_73 = tpu.vector_load %arg7[%get3A_71, %get3A_72] {strides = array<i32>} : memref<16x1024xf32, #tpu.memory_space<vmem>>, vector<16xf32>,
      %get3A_74 = arith.constant 13 : i32
      %get3A_75 = arith.index_cast %get3A_74 : i32 to index
      %get3A_76 = arith.index_cast %mul3A_22 : i32 to index
      %get3A_77 = tpu.vector_load %arg7[%get3A_75, %get3A_76] {strides = array<i32>} : memref<16x1024xf32, #tpu.memory_space<vmem>>, vector<16xf32>,
      %get3A_78 = arith.constant 14 : i32
      %get3A_79 = arith.index_cast %get3A_78 : i32 to index
      %get3A_80 = arith.index_cast %mul3A_22 : i32 to index
      %get3A_81 = tpu.vector_load %arg7[%get3A_79, %get3A_80] {strides = array<i32>} : memref<16x1024xf32, #tpu.memory_space<vmem>>, vector<16xf32>,
      %get3A_82 = arith.constant 15 : i32
      %get3A_83 = arith.index_cast %get3A_82 : i32 to index
      %get3A_84 = arith.index_cast %mul3A_22 : i32 to index
      %get3A_85 = tpu.vector_load %arg7[%get3A_83, %get3A_84] {strides = array<i32>} : memref<16x1024xf32, #tpu.memory_space<vmem>>, vector<16xf32>,
      %get3A_86 = arith.index_cast %mul3A_22 : i32 to index
      %get3A_87 = tpu.vector_load %arg8[%get3A_86] {strides = array<i32>} : memref<1024xf32, #tpu.memory_space<vmem>>, vector<16xf32>,
      %iota3A = tpu.iota {dimensions = array<i32: 0>} : vector<16xi32>
      %add3A_88 = vector.broadcast %mul3A_22 : i32 to vector<16xi32>
      %add3A_89 = arith.addi %iota3A, %add3A_88 : vector<16xi32>
      %broadcast_in_dim3A = arith.constant 0 : i32
      %broadcast_in_dim3A_90 = vector.broadcast %broadcast_in_dim3A : i32 to vector<16xi32>
      %scan3A_91 = arith.constant 0 : i32
      %scan3A_92 = arith.constant 0 : i32
      %scan3A_93 = arith.constant 8 : i32
      %scan3A_94 = arith.addi %scan3A_92, %scan3A_93 : i32
      %scan3A_95 = arith.constant 1 : i32
      scf.for %scan3A_97 = %scan3A_92 to %scan3A_94 step %scan3A_95  : i32 {
        %get3A_98 = arith.constant 0 : i32
        %get3A_99 = arith.index_cast %scan3A_97 : i32 to index
        %get3A_100 = arith.index_cast %get3A_98 : i32 to index
        %get3A_101 = memref.load %arg11[%get3A_99, %get3A_100] : memref<8x17xf32, #tpu.memory_space<smem>>
        %min3A = vector.broadcast %get3A_101 : f32 to vector<16xf32>
        %min3A_102 = arith.minimumf %min3A, %get3A_25 : vector<16xf32>
        %get3A_103 = arith.constant 1 : i32
        %get3A_104 = arith.index_cast %scan3A_97 : i32 to index
        %get3A_105 = arith.index_cast %get3A_103 : i32 to index
        %get3A_106 = memref.load %arg11[%get3A_104, %get3A_105] : memref<8x17xf32, #tpu.memory_space<smem>>
        %min3A_107 = vector.broadcast %get3A_106 : f32 to vector<16xf32>
        %min3A_108 = arith.minimumf %min3A_107, %get3A_29 : vector<16xf32>
        %get3A_109 = arith.constant 2 : i32
        %get3A_110 = arith.index_cast %scan3A_97 : i32 to index
        %get3A_111 = arith.index_cast %get3A_109 : i32 to index
        %get3A_112 = memref.load %arg11[%get3A_110, %get3A_111] : memref<8x17xf32, #tpu.memory_space<smem>>
        %min3A_113 = vector.broadcast %get3A_112 : f32 to vector<16xf32>
        %min3A_114 = arith.minimumf %min3A_113, %get3A_33 : vector<16xf32>
        %get3A_115 = arith.constant 3 : i32
        %get3A_116 = arith.index_cast %scan3A_97 : i32 to index
        %get3A_117 = arith.index_cast %get3A_115 : i32 to index
        %get3A_118 = memref.load %arg11[%get3A_116, %get3A_117] : memref<8x17xf32, #tpu.memory_space<smem>>
        %min3A_119 = vector.broadcast %get3A_118 : f32 to vector<16xf32>
        %min3A_120 = arith.minimumf %min3A_119, %get3A_37 : vector<16xf32>
        %get3A_121 = arith.constant 4 : i32
        %get3A_122 = arith.index_cast %scan3A_97 : i32 to index
        %get3A_123 = arith.index_cast %get3A_121 : i32 to index
        %get3A_124 = memref.load %arg11[%get3A_122, %get3A_123] : memref<8x17xf32, #tpu.memory_space<smem>>
        %min3A_125 = vector.broadcast %get3A_124 : f32 to vector<16xf32>
        %min3A_126 = arith.minimumf %min3A_125, %get3A_41 : vector<16xf32>
        %get3A_127 = arith.constant 5 : i32
        %get3A_128 = arith.index_cast %scan3A_97 : i32 to index
        %get3A_129 = arith.index_cast %get3A_127 : i32 to index
        %get3A_130 = memref.load %arg11[%get3A_128, %get3A_129] : memref<8x17xf32, #tpu.memory_space<smem>>
        %min3A_131 = vector.broadcast %get3A_130 : f32 to vector<16xf32>
        %min3A_132 = arith.minimumf %min3A_131, %get3A_45 : vector<16xf32>
        %get3A_133 = arith.constant 6 : i32
        %get3A_134 = arith.index_cast %scan3A_97 : i32 to index
        %get3A_135 = arith.index_cast %get3A_133 : i32 to index
        %get3A_136 = memref.load %arg11[%get3A_134, %get3A_135] : memref<8x17xf32, #tpu.memory_space<smem>>
        %min3A_137 = vector.broadcast %get3A_136 : f32 to vector<16xf32>
        %min3A_138 = arith.minimumf %min3A_137, %get3A_49 : vector<16xf32>
        %get3A_139 = arith.constant 7 : i32
        %get3A_140 = arith.index_cast %scan3A_97 : i32 to index
        %get3A_141 = arith.index_cast %get3A_139 : i32 to index
        %get3A_142 = memref.load %arg11[%get3A_140, %get3A_141] : memref<8x17xf32, #tpu.memory_space<smem>>
        %min3A_143 = vector.broadcast %get3A_142 : f32 to vector<16xf32>
        %min3A_144 = arith.minimumf %min3A_143, %get3A_53 : vector<16xf32>
        %get3A_145 = arith.constant 8 : i32
        %get3A_146 = arith.index_cast %scan3A_97 : i32 to index
        %get3A_147 = arith.index_cast %get3A_145 : i32 to index
        %get3A_148 = memref.load %arg11[%get3A_146, %get3A_147] : memref<8x17xf32, #tpu.memory_space<smem>>
        %min3A_149 = vector.broadcast %get3A_148 : f32 to vector<16xf32>
        %min3A_150 = arith.minimumf %min3A_149, %get3A_57 : vector<16xf32>
        %get3A_151 = arith.constant 9 : i32
        %get3A_152 = arith.index_cast %scan3A_97 : i32 to index
        %get3A_153 = arith.index_cast %get3A_151 : i32 to index
        %get3A_154 = memref.load %arg11[%get3A_152, %get3A_153] : memref<8x17xf32, #tpu.memory_space<smem>>
        %min3A_155 = vector.broadcast %get3A_154 : f32 to vector<16xf32>
        %min3A_156 = arith.minimumf %min3A_155, %get3A_61 : vector<16xf32>
        %get3A_157 = arith.constant 10 : i32
        %get3A_158 = arith.index_cast %scan3A_97 : i32 to index
        %get3A_159 = arith.index_cast %get3A_157 : i32 to index
        %get3A_160 = memref.load %arg11[%get3A_158, %get3A_159] : memref<8x17xf32, #tpu.memory_space<smem>>
        %min3A_161 = vector.broadcast %get3A_160 : f32 to vector<16xf32>
        %min3A_162 = arith.minimumf %min3A_161, %get3A_65 : vector<16xf32>
        %get3A_163 = arith.constant 11 : i32
        %get3A_164 = arith.index_cast %scan3A_97 : i32 to index
        %get3A_165 = arith.index_cast %get3A_163 : i32 to index
        %get3A_166 = memref.load %arg11[%get3A_164, %get3A_165] : memref<8x17xf32, #tpu.memory_space<smem>>
        %min3A_167 = vector.broadcast %get3A_166 : f32 to vector<16xf32>
        %min3A_168 = arith.minimumf %min3A_167, %get3A_69 : vector<16xf32>
        %get3A_169 = arith.constant 12 : i32
        %get3A_170 = arith.index_cast %scan3A_97 : i32 to index
        %get3A_171 = arith.index_cast %get3A_169 : i32 to index
        %get3A_172 = memref.load %arg11[%get3A_170, %get3A_171] : memref<8x17xf32, #tpu.memory_space<smem>>
        %min3A_173 = vector.broadcast %get3A_172 : f32 to vector<16xf32>
        %min3A_174 = arith.minimumf %min3A_173, %get3A_73 : vector<16xf32>
        %get3A_175 = arith.constant 13 : i32
        %get3A_176 = arith.index_cast %scan3A_97 : i32 to index
        %get3A_177 = arith.index_cast %get3A_175 : i32 to index
        %get3A_178 = memref.load %arg11[%get3A_176, %get3A_177] : memref<8x17xf32, #tpu.memory_space<smem>>
        %min3A_179 = vector.broadcast %get3A_178 : f32 to vector<16xf32>
        %min3A_180 = arith.minimumf %min3A_179, %get3A_77 : vector<16xf32>
        %get3A_181 = arith.constant 14 : i32
        %get3A_182 = arith.index_cast %scan3A_97 : i32 to index
        %get3A_183 = arith.index_cast %get3A_181 : i32 to index
        %get3A_184 = memref.load %arg11[%get3A_182, %get3A_183] : memref<8x17xf32, #tpu.memory_space<smem>>
        %min3A_185 = vector.broadcast %get3A_184 : f32 to vector<16xf32>
        %min3A_186 = arith.minimumf %min3A_185, %get3A_81 : vector<16xf32>
        %get3A_187 = arith.constant 15 : i32
        %get3A_188 = arith.index_cast %scan3A_97 : i32 to index
        %get3A_189 = arith.index_cast %get3A_187 : i32 to index
        %get3A_190 = memref.load %arg11[%get3A_188, %get3A_189] : memref<8x17xf32, #tpu.memory_space<smem>>
        %min3A_191 = vector.broadcast %get3A_190 : f32 to vector<16xf32>
        %min3A_192 = arith.minimumf %min3A_191, %get3A_85 : vector<16xf32>
        %add3A_193 = arith.addf %min3A_102, %min3A_108 : vector<16xf32>
        %add3A_194 = arith.addf %min3A_114, %min3A_120 : vector<16xf32>
        %add3A_195 = arith.addf %min3A_126, %min3A_132 : vector<16xf32>
        %add3A_196 = arith.addf %min3A_138, %min3A_144 : vector<16xf32>
        %add3A_197 = arith.addf %min3A_150, %min3A_156 : vector<16xf32>
        %add3A_198 = arith.addf %min3A_162, %min3A_168 : vector<16xf32>
        %add3A_199 = arith.addf %min3A_174, %min3A_180 : vector<16xf32>
        %add3A_200 = arith.addf %min3A_186, %min3A_192 : vector<16xf32>
        %add3A_201 = arith.addf %add3A_193, %add3A_194 : vector<16xf32>
        %add3A_202 = arith.addf %add3A_195, %add3A_196 : vector<16xf32>
        %add3A_203 = arith.addf %add3A_197, %add3A_198 : vector<16xf32>
        %add3A_204 = arith.addf %add3A_199, %add3A_200 : vector<16xf32>
        %add3A_205 = arith.addf %add3A_201, %add3A_202 : vector<16xf32>
        %add3A_206 = arith.addf %add3A_203, %add3A_204 : vector<16xf32>
        %add3A_207 = arith.addf %add3A_205, %add3A_206 : vector<16xf32>
        %get3A_208 = arith.constant 16 : i32
        %get3A_209 = arith.index_cast %scan3A_97 : i32 to index
        %get3A_210 = arith.index_cast %get3A_208 : i32 to index
        %get3A_211 = memref.load %arg11[%get3A_209, %get3A_210] : memref<8x17xf32, #tpu.memory_space<smem>>
        %add3A_212 = vector.broadcast %get3A_211 : f32 to vector<16xf32>
        %add3A_213 = arith.addf %add3A_212, %get3A_87 : vector<16xf32>
        %sub3A = arith.subf %add3A_213, %add3A_207 : vector<16xf32>
        %div3A = arith.divf %add3A_207, %sub3A : vector<16xf32>
        %swap3A = arith.index_cast %scan3A_97 : i32 to index
        %swap3A_214 = arith.index_cast %mul3A_22 : i32 to index
        %swap3A_215 = tpu.vector_load %arg9[%swap3A, %swap3A_214] {strides = array<i32>} : memref<8x1024xf32, #tpu.memory_space<vmem>>, vector<16xf32>,
        tpu.vector_store %arg9[%swap3A, %swap3A_214], %div3A {strides = array<i32>} : memref<8x1024xf32, #tpu.memory_space<vmem>>, vector<16xf32>,
        %add3A_216 = vector.broadcast %scan3A_97 : i32 to vector<16xi32>
        %add3A_217 = arith.addi %broadcast_in_dim3A_90, %add3A_216 : vector<16xi32>
        tpu.vector_store_idx %arg10[%add3A_89, %add3A_217], %div3A : memref<1024x8xf32, #tpu.memory_space<vmem>>[vector<16xi32>, vector<16xi32>], vector<16xf32>,
      }
      %scan3A_96 = arith.constant 8 : i32
    }
    %scan3A_19 = arith.constant 64 : i32
    "tpu.region"() ({
      %run_scoped3A = tpu.sem_alloc : memref<!tpu.dma_semaphore, #tpu.memory_space<semaphore_mem>>
      %dma_start3A = arith.constant 0 : i32
      %dma_start3A_20 = tpu.memref_slice %arg4[%mul3A_2, %dma_start3A] : memref<256x1024xf32, #tpu.memory_space<hbm>> -> memref<8x1024xf32, #tpu.memory_space<hbm>>
      %dma_start3A_21 = arith.constant 0 : i32
      %dma_start3A_22 = tpu.memref_slice %arg4[%mul3A_2, %dma_start3A_21] : memref<256x1024xf32, #tpu.memory_space<hbm>> -> memref<8x1024xf32, #tpu.memory_space<hbm>>
      tpu.enqueue_dma source(%arg9 : memref<8x1024xf32, #tpu.memory_space<vmem>>) target(%dma_start3A_22 : memref<8x1024xf32, #tpu.memory_space<hbm>>) target_semaphore(%run_scoped3A : memref<!tpu.dma_semaphore, #tpu.memory_space<semaphore_mem>>)
      %dma_wait3A = arith.constant 0 : i32
      %dma_wait3A_23 = tpu.memref_slice %arg4[%mul3A_2, %dma_wait3A] : memref<256x1024xf32, #tpu.memory_space<hbm>> -> memref<8x1024xf32, #tpu.memory_space<hbm>>
      %dma_wait3A_24 = arith.constant 0 : i32
      %dma_wait3A_25 = tpu.memref_slice %arg4[%mul3A_2, %dma_wait3A_24] : memref<256x1024xf32, #tpu.memory_space<hbm>> -> memref<8x1024xf32, #tpu.memory_space<hbm>>
      tpu.wait_dma2 semaphore(%run_scoped3A : memref<!tpu.dma_semaphore, #tpu.memory_space<semaphore_mem>>) src(%arg9 : memref<8x1024xf32, #tpu.memory_space<vmem>>) dst(%dma_wait3A_25 : memref<8x1024xf32, #tpu.memory_space<hbm>>)
      tpu.yield
    }) : () -> ()
    "tpu.region"() ({
      %run_scoped3A = tpu.sem_alloc : memref<!tpu.dma_semaphore, #tpu.memory_space<semaphore_mem>>
      %dma_start3A = arith.constant 0 : i32
      %dma_start3A_20 = tpu.memref_slice %arg5[%dma_start3A, %mul3A_2] : memref<1024x256xf32, #tpu.memory_space<hbm>> -> memref<1024x8xf32, #tpu.memory_space<hbm>>
      %dma_start3A_21 = arith.constant 0 : i32
      %dma_start3A_22 = tpu.memref_slice %arg5[%dma_start3A_21, %mul3A_2] : memref<1024x256xf32, #tpu.memory_space<hbm>> -> memref<1024x8xf32, #tpu.memory_space<hbm>>
      tpu.enqueue_dma source(%arg10 : memref<1024x8xf32, #tpu.memory_space<vmem>>) target(%dma_start3A_22 : memref<1024x8xf32, #tpu.memory_space<hbm>>) target_semaphore(%run_scoped3A : memref<!tpu.dma_semaphore, #tpu.memory_space<semaphore_mem>>)
      %dma_wait3A = arith.constant 0 : i32
      %dma_wait3A_23 = tpu.memref_slice %arg5[%dma_wait3A, %mul3A_2] : memref<1024x256xf32, #tpu.memory_space<hbm>> -> memref<1024x8xf32, #tpu.memory_space<hbm>>
      %dma_wait3A_24 = arith.constant 0 : i32
      %dma_wait3A_25 = tpu.memref_slice %arg5[%dma_wait3A_24, %mul3A_2] : memref<1024x256xf32, #tpu.memory_space<hbm>> -> memref<1024x8xf32, #tpu.memory_space<hbm>>
      tpu.wait_dma2 semaphore(%run_scoped3A : memref<!tpu.dma_semaphore, #tpu.memory_space<semaphore_mem>>) src(%arg10 : memref<1024x8xf32, #tpu.memory_space<vmem>>) dst(%dma_wait3A_25 : memref<1024x8xf32, #tpu.memory_space<hbm>>)
      tpu.yield
    }) : () -> ()
    return
  }
}

module attributes {stable_mosaic.version = 14 : i64} {
  func.func @tc_kernel(%arg0: i32, %arg1: memref<256x16xf32, #tpu.memory_space<vmem>>, %arg2: memref<1024x16xf32, #tpu.memory_space<vmem>>, %arg3: memref<256x1024xf32, #tpu.memory_space<vmem>>, %arg4: memref<1024x256xf32, #tpu.memory_space<vmem>>) attributes {dimension_semantics = [#tpu.dimension_semantics<arbitrary>], iteration_bounds = array<i64: 3>, scalar_prefetch = 0 : i64, scratch_operands = 0 : i64, tpu.core_type = #tpu.core_type<tc>, window_params = [{transform_indices = @transform_0, window_bounds = array<i64: 256, 16>}, {pipeline_mode = #tpu.pipeline_mode<synchronous>, transform_indices = @transform_1, window_bounds = array<i64: 1024, 16>}, {transform_indices = @transform_2, window_bounds = array<i64: 256, 1024>}, {transform_indices = @transform_3, window_bounds = array<i64: 1024, 256>}]} {
    %get3A = arith.constant 0 : index
    %get3A_0 = arith.constant 0 : index
    %get3A_1 = vector.load %arg1[%get3A, %get3A_0] : memref<256x16xf32, #tpu.memory_space<vmem>>, vector<256x16xf32>
    %neg3A = arith.constant 0.000000e+00 : f32
    %neg3A_2 = vector.broadcast %neg3A : f32 to vector<256x16xf32>
    %neg3A_3 = arith.subf %neg3A_2, %get3A_1 : vector<256x16xf32>
    %exp3A = math.exp %neg3A_3 : vector<256x16xf32>
    %add3A = arith.constant 1.000000e+00 : f32
    %add3A_4 = vector.broadcast %add3A : f32 to vector<256x16xf32>
    %add3A_5 = arith.addf %add3A_4, %exp3A : vector<256x16xf32>
    %div3A = arith.constant 1.000000e+00 : f32
    %div3A_6 = vector.broadcast %div3A : f32 to vector<256x16xf32>
    %div3A_7 = arith.divf %div3A_6, %add3A_5 : vector<256x16xf32>
    %get3A_8 = arith.constant 0 : index
    %get3A_9 = arith.constant 0 : index
    %get3A_10 = vector.load %arg2[%get3A_8, %get3A_9] : memref<1024x16xf32, #tpu.memory_space<vmem>>, vector<1024x16xf32>
    %neg3A_11 = arith.constant 0.000000e+00 : f32
    %neg3A_12 = vector.broadcast %neg3A_11 : f32 to vector<1024x16xf32>
    %neg3A_13 = arith.subf %neg3A_12, %get3A_10 : vector<1024x16xf32>
    %exp3A_14 = math.exp %neg3A_13 : vector<1024x16xf32>
    %add3A_15 = arith.constant 1.000000e+00 : f32
    %add3A_16 = vector.broadcast %add3A_15 : f32 to vector<1024x16xf32>
    %add3A_17 = arith.addf %add3A_16, %exp3A_14 : vector<1024x16xf32>
    %div3A_18 = arith.constant 1.000000e+00 : f32
    %div3A_19 = vector.broadcast %div3A_18 : f32 to vector<1024x16xf32>
    %div3A_20 = arith.divf %div3A_19, %add3A_17 : vector<1024x16xf32>
    %reduce_sum3A = arith.constant dense<0.000000e+00> : vector<256xf32>
    %reduce_sum3A_21 = vector.multi_reduction <add>, %div3A_7, %reduce_sum3A [1] : vector<256x16xf32> to vector<256xf32>
    %reduce_sum3A_22 = arith.constant dense<0.000000e+00> : vector<1024xf32>
    %reduce_sum3A_23 = vector.multi_reduction <add>, %div3A_20, %reduce_sum3A_22 [1] : vector<1024x16xf32> to vector<1024xf32>
    %broadcast_in_dim3A = arith.constant 0.000000e+00 : f32
    %broadcast_in_dim3A_24 = vector.broadcast %broadcast_in_dim3A : f32 to vector<256x1024xf32>
    %slice3A = vector.extract_strided_slice %div3A_7 {offsets = [0, 0], sizes = [256, 1], strides = [1, 1]} : vector<256x16xf32> to vector<256x1xf32>
    %slice3A_25 = vector.extract_strided_slice %div3A_20 {offsets = [0, 0], sizes = [1024, 1], strides = [1, 1]} : vector<1024x16xf32> to vector<1024x1xf32>
    %squeeze3A = vector.shape_cast %slice3A_25 : vector<1024x1xf32> to vector<1024xf32>
    %broadcast_in_dim3A_26 = vector.shape_cast %squeeze3A : vector<1024xf32> to vector<1x1024xf32>
    %min3A = vector.broadcast %slice3A : vector<256x1xf32> to vector<256x1024xf32>
    %min3A_27 = vector.broadcast %broadcast_in_dim3A_26 : vector<1x1024xf32> to vector<256x1024xf32>
    %min3A_28 = arith.minimumf %min3A, %min3A_27 : vector<256x1024xf32>
    %add3A_29 = arith.addf %broadcast_in_dim3A_24, %min3A_28 : vector<256x1024xf32>
    %slice3A_30 = vector.extract_strided_slice %div3A_7 {offsets = [0, 1], sizes = [256, 1], strides = [1, 1]} : vector<256x16xf32> to vector<256x1xf32>
    %slice3A_31 = vector.extract_strided_slice %div3A_20 {offsets = [0, 1], sizes = [1024, 1], strides = [1, 1]} : vector<1024x16xf32> to vector<1024x1xf32>
    %squeeze3A_32 = vector.shape_cast %slice3A_31 : vector<1024x1xf32> to vector<1024xf32>
    %broadcast_in_dim3A_33 = vector.shape_cast %squeeze3A_32 : vector<1024xf32> to vector<1x1024xf32>
    %min3A_34 = vector.broadcast %slice3A_30 : vector<256x1xf32> to vector<256x1024xf32>
    %min3A_35 = vector.broadcast %broadcast_in_dim3A_33 : vector<1x1024xf32> to vector<256x1024xf32>
    %min3A_36 = arith.minimumf %min3A_34, %min3A_35 : vector<256x1024xf32>
    %add3A_37 = arith.addf %add3A_29, %min3A_36 : vector<256x1024xf32>
    %slice3A_38 = vector.extract_strided_slice %div3A_7 {offsets = [0, 2], sizes = [256, 1], strides = [1, 1]} : vector<256x16xf32> to vector<256x1xf32>
    %slice3A_39 = vector.extract_strided_slice %div3A_20 {offsets = [0, 2], sizes = [1024, 1], strides = [1, 1]} : vector<1024x16xf32> to vector<1024x1xf32>
    %squeeze3A_40 = vector.shape_cast %slice3A_39 : vector<1024x1xf32> to vector<1024xf32>
    %broadcast_in_dim3A_41 = vector.shape_cast %squeeze3A_40 : vector<1024xf32> to vector<1x1024xf32>
    %min3A_42 = vector.broadcast %slice3A_38 : vector<256x1xf32> to vector<256x1024xf32>
    %min3A_43 = vector.broadcast %broadcast_in_dim3A_41 : vector<1x1024xf32> to vector<256x1024xf32>
    %min3A_44 = arith.minimumf %min3A_42, %min3A_43 : vector<256x1024xf32>
    %add3A_45 = arith.addf %add3A_37, %min3A_44 : vector<256x1024xf32>
    %slice3A_46 = vector.extract_strided_slice %div3A_7 {offsets = [0, 3], sizes = [256, 1], strides = [1, 1]} : vector<256x16xf32> to vector<256x1xf32>
    %slice3A_47 = vector.extract_strided_slice %div3A_20 {offsets = [0, 3], sizes = [1024, 1], strides = [1, 1]} : vector<1024x16xf32> to vector<1024x1xf32>
    %squeeze3A_48 = vector.shape_cast %slice3A_47 : vector<1024x1xf32> to vector<1024xf32>
    %broadcast_in_dim3A_49 = vector.shape_cast %squeeze3A_48 : vector<1024xf32> to vector<1x1024xf32>
    %min3A_50 = vector.broadcast %slice3A_46 : vector<256x1xf32> to vector<256x1024xf32>
    %min3A_51 = vector.broadcast %broadcast_in_dim3A_49 : vector<1x1024xf32> to vector<256x1024xf32>
    %min3A_52 = arith.minimumf %min3A_50, %min3A_51 : vector<256x1024xf32>
    %add3A_53 = arith.addf %add3A_45, %min3A_52 : vector<256x1024xf32>
    %slice3A_54 = vector.extract_strided_slice %div3A_7 {offsets = [0, 4], sizes = [256, 1], strides = [1, 1]} : vector<256x16xf32> to vector<256x1xf32>
    %slice3A_55 = vector.extract_strided_slice %div3A_20 {offsets = [0, 4], sizes = [1024, 1], strides = [1, 1]} : vector<1024x16xf32> to vector<1024x1xf32>
    %squeeze3A_56 = vector.shape_cast %slice3A_55 : vector<1024x1xf32> to vector<1024xf32>
    %broadcast_in_dim3A_57 = vector.shape_cast %squeeze3A_56 : vector<1024xf32> to vector<1x1024xf32>
    %min3A_58 = vector.broadcast %slice3A_54 : vector<256x1xf32> to vector<256x1024xf32>
    %min3A_59 = vector.broadcast %broadcast_in_dim3A_57 : vector<1x1024xf32> to vector<256x1024xf32>
    %min3A_60 = arith.minimumf %min3A_58, %min3A_59 : vector<256x1024xf32>
    %add3A_61 = arith.addf %add3A_53, %min3A_60 : vector<256x1024xf32>
    %slice3A_62 = vector.extract_strided_slice %div3A_7 {offsets = [0, 5], sizes = [256, 1], strides = [1, 1]} : vector<256x16xf32> to vector<256x1xf32>
    %slice3A_63 = vector.extract_strided_slice %div3A_20 {offsets = [0, 5], sizes = [1024, 1], strides = [1, 1]} : vector<1024x16xf32> to vector<1024x1xf32>
    %squeeze3A_64 = vector.shape_cast %slice3A_63 : vector<1024x1xf32> to vector<1024xf32>
    %broadcast_in_dim3A_65 = vector.shape_cast %squeeze3A_64 : vector<1024xf32> to vector<1x1024xf32>
    %min3A_66 = vector.broadcast %slice3A_62 : vector<256x1xf32> to vector<256x1024xf32>
    %min3A_67 = vector.broadcast %broadcast_in_dim3A_65 : vector<1x1024xf32> to vector<256x1024xf32>
    %min3A_68 = arith.minimumf %min3A_66, %min3A_67 : vector<256x1024xf32>
    %add3A_69 = arith.addf %add3A_61, %min3A_68 : vector<256x1024xf32>
    %slice3A_70 = vector.extract_strided_slice %div3A_7 {offsets = [0, 6], sizes = [256, 1], strides = [1, 1]} : vector<256x16xf32> to vector<256x1xf32>
    %slice3A_71 = vector.extract_strided_slice %div3A_20 {offsets = [0, 6], sizes = [1024, 1], strides = [1, 1]} : vector<1024x16xf32> to vector<1024x1xf32>
    %squeeze3A_72 = vector.shape_cast %slice3A_71 : vector<1024x1xf32> to vector<1024xf32>
    %broadcast_in_dim3A_73 = vector.shape_cast %squeeze3A_72 : vector<1024xf32> to vector<1x1024xf32>
    %min3A_74 = vector.broadcast %slice3A_70 : vector<256x1xf32> to vector<256x1024xf32>
    %min3A_75 = vector.broadcast %broadcast_in_dim3A_73 : vector<1x1024xf32> to vector<256x1024xf32>
    %min3A_76 = arith.minimumf %min3A_74, %min3A_75 : vector<256x1024xf32>
    %add3A_77 = arith.addf %add3A_69, %min3A_76 : vector<256x1024xf32>
    %slice3A_78 = vector.extract_strided_slice %div3A_7 {offsets = [0, 7], sizes = [256, 1], strides = [1, 1]} : vector<256x16xf32> to vector<256x1xf32>
    %slice3A_79 = vector.extract_strided_slice %div3A_20 {offsets = [0, 7], sizes = [1024, 1], strides = [1, 1]} : vector<1024x16xf32> to vector<1024x1xf32>
    %squeeze3A_80 = vector.shape_cast %slice3A_79 : vector<1024x1xf32> to vector<1024xf32>
    %broadcast_in_dim3A_81 = vector.shape_cast %squeeze3A_80 : vector<1024xf32> to vector<1x1024xf32>
    %min3A_82 = vector.broadcast %slice3A_78 : vector<256x1xf32> to vector<256x1024xf32>
    %min3A_83 = vector.broadcast %broadcast_in_dim3A_81 : vector<1x1024xf32> to vector<256x1024xf32>
    %min3A_84 = arith.minimumf %min3A_82, %min3A_83 : vector<256x1024xf32>
    %add3A_85 = arith.addf %add3A_77, %min3A_84 : vector<256x1024xf32>
    %slice3A_86 = vector.extract_strided_slice %div3A_7 {offsets = [0, 8], sizes = [256, 1], strides = [1, 1]} : vector<256x16xf32> to vector<256x1xf32>
    %slice3A_87 = vector.extract_strided_slice %div3A_20 {offsets = [0, 8], sizes = [1024, 1], strides = [1, 1]} : vector<1024x16xf32> to vector<1024x1xf32>
    %squeeze3A_88 = vector.shape_cast %slice3A_87 : vector<1024x1xf32> to vector<1024xf32>
    %broadcast_in_dim3A_89 = vector.shape_cast %squeeze3A_88 : vector<1024xf32> to vector<1x1024xf32>
    %min3A_90 = vector.broadcast %slice3A_86 : vector<256x1xf32> to vector<256x1024xf32>
    %min3A_91 = vector.broadcast %broadcast_in_dim3A_89 : vector<1x1024xf32> to vector<256x1024xf32>
    %min3A_92 = arith.minimumf %min3A_90, %min3A_91 : vector<256x1024xf32>
    %add3A_93 = arith.addf %add3A_85, %min3A_92 : vector<256x1024xf32>
    %slice3A_94 = vector.extract_strided_slice %div3A_7 {offsets = [0, 9], sizes = [256, 1], strides = [1, 1]} : vector<256x16xf32> to vector<256x1xf32>
    %slice3A_95 = vector.extract_strided_slice %div3A_20 {offsets = [0, 9], sizes = [1024, 1], strides = [1, 1]} : vector<1024x16xf32> to vector<1024x1xf32>
    %squeeze3A_96 = vector.shape_cast %slice3A_95 : vector<1024x1xf32> to vector<1024xf32>
    %broadcast_in_dim3A_97 = vector.shape_cast %squeeze3A_96 : vector<1024xf32> to vector<1x1024xf32>
    %min3A_98 = vector.broadcast %slice3A_94 : vector<256x1xf32> to vector<256x1024xf32>
    %min3A_99 = vector.broadcast %broadcast_in_dim3A_97 : vector<1x1024xf32> to vector<256x1024xf32>
    %min3A_100 = arith.minimumf %min3A_98, %min3A_99 : vector<256x1024xf32>
    %add3A_101 = arith.addf %add3A_93, %min3A_100 : vector<256x1024xf32>
    %slice3A_102 = vector.extract_strided_slice %div3A_7 {offsets = [0, 10], sizes = [256, 1], strides = [1, 1]} : vector<256x16xf32> to vector<256x1xf32>
    %slice3A_103 = vector.extract_strided_slice %div3A_20 {offsets = [0, 10], sizes = [1024, 1], strides = [1, 1]} : vector<1024x16xf32> to vector<1024x1xf32>
    %squeeze3A_104 = vector.shape_cast %slice3A_103 : vector<1024x1xf32> to vector<1024xf32>
    %broadcast_in_dim3A_105 = vector.shape_cast %squeeze3A_104 : vector<1024xf32> to vector<1x1024xf32>
    %min3A_106 = vector.broadcast %slice3A_102 : vector<256x1xf32> to vector<256x1024xf32>
    %min3A_107 = vector.broadcast %broadcast_in_dim3A_105 : vector<1x1024xf32> to vector<256x1024xf32>
    %min3A_108 = arith.minimumf %min3A_106, %min3A_107 : vector<256x1024xf32>
    %add3A_109 = arith.addf %add3A_101, %min3A_108 : vector<256x1024xf32>
    %slice3A_110 = vector.extract_strided_slice %div3A_7 {offsets = [0, 11], sizes = [256, 1], strides = [1, 1]} : vector<256x16xf32> to vector<256x1xf32>
    %slice3A_111 = vector.extract_strided_slice %div3A_20 {offsets = [0, 11], sizes = [1024, 1], strides = [1, 1]} : vector<1024x16xf32> to vector<1024x1xf32>
    %squeeze3A_112 = vector.shape_cast %slice3A_111 : vector<1024x1xf32> to vector<1024xf32>
    %broadcast_in_dim3A_113 = vector.shape_cast %squeeze3A_112 : vector<1024xf32> to vector<1x1024xf32>
    %min3A_114 = vector.broadcast %slice3A_110 : vector<256x1xf32> to vector<256x1024xf32>
    %min3A_115 = vector.broadcast %broadcast_in_dim3A_113 : vector<1x1024xf32> to vector<256x1024xf32>
    %min3A_116 = arith.minimumf %min3A_114, %min3A_115 : vector<256x1024xf32>
    %add3A_117 = arith.addf %add3A_109, %min3A_116 : vector<256x1024xf32>
    %slice3A_118 = vector.extract_strided_slice %div3A_7 {offsets = [0, 12], sizes = [256, 1], strides = [1, 1]} : vector<256x16xf32> to vector<256x1xf32>
    %slice3A_119 = vector.extract_strided_slice %div3A_20 {offsets = [0, 12], sizes = [1024, 1], strides = [1, 1]} : vector<1024x16xf32> to vector<1024x1xf32>
    %squeeze3A_120 = vector.shape_cast %slice3A_119 : vector<1024x1xf32> to vector<1024xf32>
    %broadcast_in_dim3A_121 = vector.shape_cast %squeeze3A_120 : vector<1024xf32> to vector<1x1024xf32>
    %min3A_122 = vector.broadcast %slice3A_118 : vector<256x1xf32> to vector<256x1024xf32>
    %min3A_123 = vector.broadcast %broadcast_in_dim3A_121 : vector<1x1024xf32> to vector<256x1024xf32>
    %min3A_124 = arith.minimumf %min3A_122, %min3A_123 : vector<256x1024xf32>
    %add3A_125 = arith.addf %add3A_117, %min3A_124 : vector<256x1024xf32>
    %slice3A_126 = vector.extract_strided_slice %div3A_7 {offsets = [0, 13], sizes = [256, 1], strides = [1, 1]} : vector<256x16xf32> to vector<256x1xf32>
    %slice3A_127 = vector.extract_strided_slice %div3A_20 {offsets = [0, 13], sizes = [1024, 1], strides = [1, 1]} : vector<1024x16xf32> to vector<1024x1xf32>
    %squeeze3A_128 = vector.shape_cast %slice3A_127 : vector<1024x1xf32> to vector<1024xf32>
    %broadcast_in_dim3A_129 = vector.shape_cast %squeeze3A_128 : vector<1024xf32> to vector<1x1024xf32>
    %min3A_130 = vector.broadcast %slice3A_126 : vector<256x1xf32> to vector<256x1024xf32>
    %min3A_131 = vector.broadcast %broadcast_in_dim3A_129 : vector<1x1024xf32> to vector<256x1024xf32>
    %min3A_132 = arith.minimumf %min3A_130, %min3A_131 : vector<256x1024xf32>
    %add3A_133 = arith.addf %add3A_125, %min3A_132 : vector<256x1024xf32>
    %slice3A_134 = vector.extract_strided_slice %div3A_7 {offsets = [0, 14], sizes = [256, 1], strides = [1, 1]} : vector<256x16xf32> to vector<256x1xf32>
    %slice3A_135 = vector.extract_strided_slice %div3A_20 {offsets = [0, 14], sizes = [1024, 1], strides = [1, 1]} : vector<1024x16xf32> to vector<1024x1xf32>
    %squeeze3A_136 = vector.shape_cast %slice3A_135 : vector<1024x1xf32> to vector<1024xf32>
    %broadcast_in_dim3A_137 = vector.shape_cast %squeeze3A_136 : vector<1024xf32> to vector<1x1024xf32>
    %min3A_138 = vector.broadcast %slice3A_134 : vector<256x1xf32> to vector<256x1024xf32>
    %min3A_139 = vector.broadcast %broadcast_in_dim3A_137 : vector<1x1024xf32> to vector<256x1024xf32>
    %min3A_140 = arith.minimumf %min3A_138, %min3A_139 : vector<256x1024xf32>
    %add3A_141 = arith.addf %add3A_133, %min3A_140 : vector<256x1024xf32>
    %slice3A_142 = vector.extract_strided_slice %div3A_7 {offsets = [0, 15], sizes = [256, 1], strides = [1, 1]} : vector<256x16xf32> to vector<256x1xf32>
    %slice3A_143 = vector.extract_strided_slice %div3A_20 {offsets = [0, 15], sizes = [1024, 1], strides = [1, 1]} : vector<1024x16xf32> to vector<1024x1xf32>
    %squeeze3A_144 = vector.shape_cast %slice3A_143 : vector<1024x1xf32> to vector<1024xf32>
    %broadcast_in_dim3A_145 = vector.shape_cast %squeeze3A_144 : vector<1024xf32> to vector<1x1024xf32>
    %min3A_146 = vector.broadcast %slice3A_142 : vector<256x1xf32> to vector<256x1024xf32>
    %min3A_147 = vector.broadcast %broadcast_in_dim3A_145 : vector<1x1024xf32> to vector<256x1024xf32>
    %min3A_148 = arith.minimumf %min3A_146, %min3A_147 : vector<256x1024xf32>
    %add3A_149 = arith.addf %add3A_141, %min3A_148 : vector<256x1024xf32>
    %broadcast_in_dim3A_150 = vector.shape_cast %reduce_sum3A_21 : vector<256xf32> to vector<256x1xf32>
    %broadcast_in_dim3A_151 = vector.shape_cast %reduce_sum3A_23 : vector<1024xf32> to vector<1x1024xf32>
    %add3A_152 = vector.broadcast %broadcast_in_dim3A_150 : vector<256x1xf32> to vector<256x1024xf32>
    %add3A_153 = vector.broadcast %broadcast_in_dim3A_151 : vector<1x1024xf32> to vector<256x1024xf32>
    %add3A_154 = arith.addf %add3A_152, %add3A_153 : vector<256x1024xf32>
    %sub3A = arith.subf %add3A_154, %add3A_149 : vector<256x1024xf32>
    %div3A_155 = arith.divf %add3A_149, %sub3A : vector<256x1024xf32>
    %swap3A = arith.constant 0 : index
    %swap3A_156 = arith.constant 0 : index
    %swap3A_157 = vector.load %arg3[%swap3A, %swap3A_156] : memref<256x1024xf32, #tpu.memory_space<vmem>>, vector<256x1024xf32>
    tpu.vector_store %arg3[%swap3A, %swap3A_156], %div3A_155 {strides = array<i32>} : memref<256x1024xf32, #tpu.memory_space<vmem>>, vector<256x1024xf32>,
    %transpose3A = tpu.transpose %div3A_155, [1, 0] : vector<256x1024xf32> -> vector<1024x256xf32>
    %swap3A_158 = arith.constant 0 : index
    %swap3A_159 = arith.constant 0 : index
    %swap3A_160 = vector.load %arg4[%swap3A_158, %swap3A_159] : memref<1024x256xf32, #tpu.memory_space<vmem>>, vector<1024x256xf32>
    tpu.vector_store %arg4[%swap3A_158, %swap3A_159], %transpose3A {strides = array<i32>} : memref<1024x256xf32, #tpu.memory_space<vmem>>, vector<1024x256xf32>,
    return
  }
  func.func @transform_0(%arg0: i32) -> (i32, i32) {
    %add3A = arith.constant 1 : i32
    %add3A_0 = arith.addi %arg0, %add3A : i32
    %c0_i32 = arith.constant 0 : i32
    %c0_i32_1 = arith.constant 0 : i32
    return %add3A_0, %c0_i32 : i32, i32
  }
  func.func @transform_1(%arg0: i32) -> (i32, i32) {
    %c0_i32 = arith.constant 0 : i32
    %c0_i32_0 = arith.constant 0 : i32
    %c0_i32_1 = arith.constant 0 : i32
    return %c0_i32, %c0_i32_0 : i32, i32
  }
  func.func @transform_2(%arg0: i32) -> (i32, i32) {
    %c0_i32 = arith.constant 0 : i32
    %c0_i32_0 = arith.constant 0 : i32
    return %arg0, %c0_i32 : i32, i32
  }
  func.func @transform_3(%arg0: i32) -> (i32, i32) {
    %c0_i32 = arith.constant 0 : i32
    %c0_i32_0 = arith.constant 0 : i32
    return %c0_i32, %arg0 : i32, i32
  }
}

</mosaic_0001>

<sc_bundles>
// kernel: kernel.4.cloned.1.call-start
scs
__scs_entry_jumppad:
0x0: {  	(pc) =	sbr.rel $0x88, $3  }
0x1: {  	(tag) =	ssettag $0x0;
	lr =	simm.s32 $0x1  }
0x2: {  	[smem:$0x3F9F] =	sst lr;
	_ =	strace $0xD0000000  }
0x3: {  	_ = 	snop  }
0x4: {  	_ = 	snop  }
0x5: {  	_ = 	snop  }
0x6: {  	_ = 	snop  }
0x7: {  	_ = 	snop  }
__scs_overlays_trampoline_lowered:
0x8: {  	[smem:$0x3FAE] =	sst s0  }
0x9: {  	[smem:$0x3FAF] =	sst s1  }
0xa: {  	[smem:$0x3FB0] =	sst s2  }
0xb: {  	[smem:$0x3FB1] =	sst s3  }
0xc: {  	[smem:$0x3FB2] =	sst s4  }
0xd: {  	[smem:$0x3FB3] =	sst s5  }
0xe: {  	[smem:$0x3FB4] =	sst s6  }
0xf: {  	[smem:$0x3FB5] =	sst s7  }
0x10: {  	[smem:$0x3FB6] =	sst s8  }
0x11: {  	[smem:$0x3FB7] =	sst s9;
	s0 =	simm.s32 @!p0 $0x0  }
0x12: {  	s1 =	sld [smem:$0x3F9D];
	s0 =	simm.s32 @p0 $0x1  }
0x13: {  	[smem:$0x3FB8] =	sst s0;
	s0 =	simm.s32 @!p1 $0x0  }
0x14: {  	s2 =	sld [smem:$0x3F9C];
	s0 =	simm.s32 @p1 $0x1  }
0x15: {  	[smem:$0x3FB9] =	sst s0;
	s0 =	simm.s32 @!p2 $0x0  }
0x16: {  	s3 =	sld [smem:$0x3FDB];
	s0 =	simm.s32 @p2 $0x1  }
0x17: {  	s4 =	simm.s32 $0x1BF5;
	[smem:$0x3FBB] =	sst s0  }
0x18: {  	s0 =	sld [smem:$0x3F9E];
	_ =	swait.ge [sflag:s4], $0x0  }
0x19: {  	s7 =	sld [smem:$0x3F9F]  }
0x1a: {  	s8 =	sadd.s32 $0xFFFFE003, lr  }
0x1b: {  	s9 =	sadd.s32 $0xFFFFFEF7, lr;
	s5 =	simm.s32 $0xFFFFFFFF;
	p2 =	slt.u32 s8, $0xFFFFF086  }
0x1c: {  	p1 =	slt.u32 s9, $0xF7A;
	s5 =	simm.s32 @!p2 $0x0  }
0x1d: {  	s5 =	simm.s32 @p1 $0x1;
	p0 =	seq.s32 s7, s2  }
0x1e: {  	s7 =	smul.u32 @!p0 $0xF7A, s2;
	p2 =	seq.s32 @!p0 s5, $0x0  }
0x1f: {  	s9 =	smul.u32 $0xF7A, s1;
	s8 =	simm.s32 @!p0 $0x1BF5;
	p2 =	por !p2, p0  }
0x20: {  	[sflag:s8] =	ssyncset.s32 @!p0 $0xFFFFF086;
	s6 =	sadd.s32 @!p0 s3, s7;
	s7 =	simm.s32 @!p0 $0x108  }
0x21: {  	s3 =	sadd.s32 s3, s9;
	s6 =	sadd.s32 @!p0 $0x88, s6;
	s7 =	simm.s32 @p2 $0x1082  }
0x22: {  	[simem:s7], [sflag:s8] =	dma.local @!p0 [hbm:s6], $0xF7A  }
0x23: {  	s9 =	sor.u32 $0xD0000000, s2;
	s6 =	simm.s32 $0x108;
	_ =	swait.ge @!p0 [sflag:s8], $0x0  }
0x24: {  	s3 =	sadd.s32 $0x88, s3;
	s6 =	simm.s32 @!p1 $0x1082;
	[sflag:s4] =	ssyncset.s32 $0xFFFFF086  }
0x25: {  	[simem:s6], [sflag:s4] =	dma.local [hbm:s3], $0xF7A  }
0x26: {  	[smem:$0x3F9F] =	sst s1;
	(tag) =	ssettag s2;
	_ =	strace s9  }
0x27: {  	s1 =	sld [smem:$0x3FAF]  }
0x28: {  	s2 =	sld [smem:$0x3FB0]  }
0x29: {  	s4 =	sld [smem:$0x3FB2]  }
0x2a: {  	p0 =	seq.s32 s5, $0x0;
	s5 =	sld [smem:$0x3FB3]  }
0x2b: {  	s6 =	sld [smem:$0x3FB4]  }
0x2c: {  	s7 =	sld [smem:$0x3FB5]  }
0x2d: {  	s3 =	simm.s32 $0x108;
	s8 =	sld [smem:$0x3FB6]  }
0x2e: {  	s3 =	simm.s32 @!p0 $0x1082;
	s9 =	sld [smem:$0x3FB7]  }
0x2f: {  	lr =	sadd.s32 s0, s3;
	s0 =	sld [smem:$0x3FAE]  }
0x30: {  	s3 =	sld [smem:$0x3FB1]  }
0x31: {  	[smem:$0x3FBA] =	sst s10  }
0x32: {  	s10 =	sld [smem:$0x3FB8];
	_ =	sdelay $0x3  }
0x33: {  	p0 =	seq.s32 s10, $0x1;
	s10 =	sld [smem:$0x3FBA];
	_ =	sdelay $0x3  }
0x34: {  	[smem:$0x3FBA] =	sst s10  }
0x35: {  	s10 =	sld [smem:$0x3FB9];
	_ =	sdelay $0x3  }
0x36: {  	p1 =	seq.s32 s10, $0x1;
	s10 =	sld [smem:$0x3FBA];
	_ =	sdelay $0x3  }
0x37: {  	[smem:$0x3FBA] =	sst s10  }
0x38: {  	s10 =	sld [smem:$0x3FBB]  }
0x39: {  	_ = 	snop;
	(pc) =	sbr.ind lr, $3  }
0x3a: {  	_ = 	snop  }
0x3b: {  	_ = 	snop  }
0x3c: {  	p2 =	seq.s32 s10, $0x1;
	s10 =	sld [smem:$0x3FBA]  }
0x3d: {  	_ =	shalt  }
0x3e: {  	_ =	shalt  }
0x3f: {  	_ =	shalt  }
0x40: {  	_ =	shalt  }
0x41: {  	_ =	shalt  }
0x42: {  	_ =	shalt  }
0x43: {  	_ =	shalt  }
0x44: {  	_ =	shalt  }
0x45: {  	_ =	shalt  }
0x46: {  	_ =	shalt  }
0x47: {  	_ =	shalt  }
0x48: {  	_ =	shalt  }
0x49: {  	_ =	shalt  }
0x4a: {  	_ =	shalt  }
0x4b: {  	_ =	shalt  }
0x4c: {  	_ =	shalt  }
0x4d: {  	_ =	shalt  }
0x4e: {  	_ =	shalt  }
0x4f: {  	_ =	shalt  }
0x50: {  	_ =	shalt  }
0x51: {  	_ =	shalt  }
0x52: {  	_ =	shalt  }
0x53: {  	_ =	shalt  }
0x54: {  	_ =	shalt  }
0x55: {  	_ =	shalt  }
0x56: {  	_ =	shalt  }
0x57: {  	_ =	shalt  }
0x58: {  	_ =	shalt  }
0x59: {  	_ =	shalt  }
0x5a: {  	_ =	shalt  }
0x5b: {  	_ =	shalt  }
0x5c: {  	_ =	shalt  }
0x5d: {  	_ =	shalt  }
0x5e: {  	_ =	shalt  }
0x5f: {  	_ =	shalt  }
0x60: {  	_ =	shalt  }
0x61: {  	_ =	shalt  }
0x62: {  	_ =	shalt  }
0x63: {  	_ =	shalt  }
0x64: {  	_ =	shalt  }
0x65: {  	_ =	shalt  }
0x66: {  	_ =	shalt  }
0x67: {  	_ =	shalt  }
0x68: {  	_ =	shalt  }
0x69: {  	_ =	shalt  }
0x6a: {  	_ =	shalt  }
0x6b: {  	_ =	shalt  }
0x6c: {  	_ =	shalt  }
0x6d: {  	_ =	shalt  }
0x6e: {  	_ =	shalt  }
0x6f: {  	_ =	shalt  }
0x70: {  	_ =	shalt  }
0x71: {  	_ =	shalt  }
0x72: {  	_ =	shalt  }
0x73: {  	_ =	shalt  }
0x74: {  	_ =	shalt  }
0x75: {  	_ =	shalt  }
0x76: {  	_ =	shalt  }
0x77: {  	_ =	shalt  }
0x78: {  	_ =	shalt  }
0x79: {  	_ =	shalt  }
0x7a: {  	_ =	shalt  }
0x7b: {  	_ =	shalt  }
0x7c: {  	_ =	shalt  }
0x7d: {  	_ =	shalt  }
0x7e: {  	_ =	shalt  }
0x7f: {  	_ =	shalt  }
0x80: {  	_ =	shalt  }
0x81: {  	_ =	shalt  }
0x82: {  	_ =	shalt  }
0x83: {  	_ =	shalt  }
0x84: {  	_ =	shalt  }
0x85: {  	_ =	shalt  }
0x86: {  	_ =	shalt  }
0x87: {  	_ =	shalt  }
.Lfunc_end0:
.L_simem_size_0:
called_computation_lowered:
.L_overlay_start_0:
0x88: {  	s2 =	sld [smem:$0x3FD9]  }
0x89: {  	s3 =	sld [smem:$0x3FFE];
	_ =	sdelay $0x1  }
0x8a: {  	s1 =	srdreg.scid  }
0x8b: {  	s0 =	sand.u32 $0x1, s1  }
0x8c: {  	s14 =	sshll.u32 s0, $0xA;
	s2 =	sadd.s32 s3, s2  }
0x8d: {  	s2 =	sadd.s32 s2, s14  }
0x8e: {  	[smem:$0x3FC6] =	sst s2  }
0x8f: {  	_ = 	snop  }
0x90: {  	s2 =	sld [smem:$0x3FD0];
	_ =	sdelay $0x2  }
0x91: {  	s15 =	simm.s32 $0xA;
	s4 =	simm.s32 $0x10  }
0x92: {  	[smem:s4], [sflag:s15] =	dma.local [hbm:s2], $0x1  }
0x93: {  	_ =	swait.eq [sflag:s15], $0x1  }
0x94: {  	[sflag:s15] =	ssyncset.done $0x0  }
0x95: {  	s16 =	sld [smem:$0x10];
	[sflag:s15] =	ssyncadd.s32 $0xFFFFFFFF  }
0x96: {  	s17 =	sld [smem:$0x11];
	(tm) =	ssettm $0x1  }
0x97: {  	s18 =	sld [smem:$0x3FFB];
	_ =	sdelay $0x3  }
0x98: {  	_ =	strace s18  }
0x99: {  	s4 =	sld [smem:$0x3FFC];
	_ =	sdelay $0x3  }
0x9a: {  	_ =	strace s4  }
0x9b: {  	s4 =	sld [smem:$0x3FFD];
	_ =	sdelay $0x3  }
0x9c: {  	_ =	strace s4  }
0x9d: {  	_ =	strace $0x8FFFFFFF  }
0x9e: {  	s19 =	sld [smem:$0x3FDB];
	_ =	sdelay $0x1  }
0x9f: {  	s5 =	simm.s32 $_scs_section_size  }
0xa0: {  	s6 =	simm.s32 $_size__tile_overlayer_lowered;
	s7 =	simm.s32 $_tile_overlayer_lowered  }
0xa1: {  	s22 =	simm.s32 $0x1BFF;
	s21 =	sshll.u32 s7, $0x1;
	s4 =	sadd.s32 s5, s19  }
0xa2: {  	s8 =	simm.s32 $0x0;
	s20 =	sshll.u32 s6, $0x1;
	s6 =	sadd.s32 s21, s4  }
0xa3: {  	[timem:s8], [sflag:s22] =	dma.local [hbm:s6], s20  }
0xa4: {  	_ =	swait.ge [sflag:s22], s20  }
0xa5: {  	s5 =	ssub.s32 $0x0, s20;
	[sflag:s22] =	ssyncset.done $0x0  }
0xa6: {  	[sflag:s22] =	ssyncadd.s32 s5;
	_ =	sdelay $0x1  }
0xa7: {  	s23 =	simm.s32 $0x1B8B  }
0xa8: {  	_ =	swait.ge [sflag:s23], $0x1  }
0xa9: {  	[sflag:s23] =	ssyncset.done $0x0  }
0xaa: {  	s25 =	simm.s32 $0x1B8E;
	s24 =	sld [smem:$0x3FFE];
	[sflag:s23] =	ssyncadd.s32 $0xFFFFFFFF  }
0xab: {  	s26 =	simm.s32 $execute0_lowered;
	[smem:$0x3FD2] =	sst s25  }
0xac: {  	s6 =	sshll.u32 s26, $0x1;
	_ =	strace $0x80000046;
	[dreg:$0x1] =	wrdreg $0xFFFFFFFF  }
0xad: {  	s28 =	simm.s32 $_size_execute0_lowered;
	s4 =	sadd.s32 s4, s6;
	[dreg:$0x0] =	wrdreg $0x0  }
0xae: {  	s6 =	sshll.u32 s28, $0x1;
	[dreg:$0x2] =	wrdreg s4  }
0xaf: {  	[dreg:$0x3] =	wrdreg s6  }
0xb0: {  	[dreg:$0x4] =	wrdreg $0xC0  }
0xb1: {  	_ =	task [dreg:s8], $0x5FFFF  }
0xb2: {  	[dreg:$0x1] =	wrdreg $0xFFFFFFFF  }
0xb3: {  	[dreg:$0x0] =	wrdreg $0x60  }
0xb4: {  	[dreg:$0x2] =	wrdreg s24  }
0xb5: {  	[dreg:$0x3] =	wrdreg s17  }
0xb6: {  	[dreg:$0x4] =	wrdreg s16  }
0xb7: {  	[dreg:$0x5] =	wrdreg $0x9  }
0xb8: {  	_ =	task.clear_ibuf [dreg:s8], $0x6FFFF;
	_ =	strace $0x90000046  }
0xb9: {  	s29 =	simm.s32 $0x9;
	_ =	strace $0x80000048  }
0xba: {  	_ =	swait.ge [sflag:s29], $0x1  }
0xbb: {  	[sflag:s29] =	ssyncadd.s32 $0xFFFFFFFF  }
0xbc: {  	_ =	strace $0x90000048  }
0xbd: {  	_ =	sfence  }
0xbe: {  	s30 =	sld [smem:$0x0];
	_ =	sdelay $0x2  }
0xbf: {  	s31 =	sshll.u32 s1, $0xD;
	s1 =	sshrl.u32 s1, $0x2  }
0xc0: {  	s3 =	sand.u32 $0x4000, s31;
	s1 =	sadd.s32 s1, s30  }
0xc1: {  	s0 =	sor.u32 s3, s0;
	s1 =	sshll.u32 s1, $0x11  }
0xc2: {  	s0 =	sor.u32 s1, s0  }
0xc3: {  	s0 =	sadd.s32 $0x8F2B, s0  }
0xc4: {  	[sflag:s0] =	ssyncadd.remote.s32 $0x1  }
0xc5: {  	_ =	sfence.sel $0xFFFF  }
0xc6: {  	[dreg:$0x0] =	wrdreg $0xFFFFFFFF;
	(pc) =	sbr.abs _section_cstart, $3  }
0xc7: {  	[dreg:$0x1] =	wrdreg $0xFFFFFFFF  }
0xc8: {  	_ =	task.clear_ibuf [dreg:s8], $0x2FFFF;
	_ =	strace $0x9FFFFFFF  }
0xc9: {  	(tm) =	ssettm $0x7FFFFFFF  }
tec
execute0_lowered:
.L_overlay_start_1:
0x0: {  	(tag) =	ssettag $0x1  }
0x1: {  	s0 =	rddreg [dreg:$0x0]  }
0x2: {  	s1 =	srdreg.scid;
	s3 =	rddreg [dreg:$0x1]  }
0x3: {  	s2 =	stileid.u32;
	s4 =	rddreg [dreg:$0x2];
	s1 =	sand.u32 $0x1, s1  }
0x4: {  	s5 =	sshll.u32 s2, $0x4;
	s2 =	simm.s32 $0x0;
	s6 =	sshll.u32 s1, $0x3  }
0x5: {  	[smem:$0x7FF] =	sst s2;
	s1 =	ssub.s32 $0x2, s1;
	s5 =	sor.u32 s6, s5  }
0x6: {  	_ =	strace $0x80000047;
	s7 =	sshrl.u32 s1, $0x1;
	s6 =	sshll.u32 s5, $0x1  }
0x7: {  	s30 =	sshll.u32 s5, $0x7;
	s6 =	sadd.s32 s6, s0;
	s0 =	sadd.s32 $0xA00, s0  }
0x8: {  	s29 =	ssub.s32 s1, s7;
	s1 =	sadd.s32 s3, s30;
	[dreg:$0x4] =	wrdreg s0  }
0x9: {  	s31 =	sshrl.u32 s5, $0x3;
	s6 =	sadd.s32 $0x1200, s6;
	[dreg:$0x6] =	wrdreg s1  }
0xa: {  	s1 =	sadd.s32 s4, s31;
	[dreg:$0x5] =	wrdreg s6  }
0xb: {  	v0 =	vlaneseq.u32;
	s10 =	simm.s32 $0x6480;
	s0 =	smax.u32 s29, $0x1;
	[dreg:$0x7] =	wrdreg s1  }
0xc: {  	v0 =	vmul.u32 $0x8, v0;
	s3 =	simm.s32 $0x0;
	[dreg:$0x8] =	wrdreg s0;
	s1 =	simm.s32 $0x1  }
.LBB2_1:
0xd: {  	[dreg:$0x9] =	wrdreg s3  }
0xe: {  	s0 =	rddreg [dreg:$0x5]  }
0xf: {  	[tilespmem:s2], [sflag:$0x1] =	stream.linear.gather [hbm4b:s0+s2], $0x80, $0x38;
	[tilespmem:$0x8480] =	vst v63  }
0x10: {  	_ =	swait.ge [sflag:s1], $0x80  }
0x11: {  	[sflag:s1] =	ssyncset.done $0x0  }
0x12: {  	s31 =	simm.s32 $0x80;
	s30 =	rddreg [dreg:$0x4];
	[sflag:s1] =	ssyncadd.s32 $0xFFFFFF80  }
0x13: {  	[tilespmem:s31], [sflag:$0x1] =	stream.linear.gather [hbm4b:s30+s2], $0x4000, $0x38;
	[tilespmem:$0x8480] =	vst v63  }
0x14: {  	_ =	swait.ge [sflag:s1], $0x4000  }
0x15: {  	[sflag:s1] =	ssyncset.done $0x0  }
0x16: {  	s15 =	simm.s32 $0x0;
	[sflag:s1] =	ssyncadd.s32 $0xFFFFC000  }
0x17: {  	v1 =	vld [tilespmem:s15+$0x3480];
	_ =	sdelay $0x4  }
0x18: {  	v1 =	vsub.f32 $0.0e+00, v1  }
0x19: {  	v2 =	vld [tilespmem:s15+$0x3C80]  }
0x1a: {  	v1 =	vmul.f32 $1.442695020e+00, v1  }
0x1b: {  	v3 =	vld [tilespmem:s15+$0x2C80]  }
0x1c: {  	v4 =	vld [tilespmem:s15+$0x2880];
	(erf) = vpow2.f32 v1  }
0x1d: {  	v1 =	vld [tilespmem:s15+$0x3880]  }
0x1e: {  	v5 =	vld [tilespmem:s15+$0xC80];
	v2 =	vsub.f32 $0.0e+00, v2  }
0x1f: {  	v6 =	vld [tilespmem:s15+$0x2080]  }
0x20: {  	v7 =	vld [tilespmem:s15+$0x3080];
	v3 =	vsub.f32 $0.0e+00, v3;
	v2 =	vmul.f32 $1.442695020e+00, v2  }
0x21: {  	v4 =	vsub.f32 $0.0e+00, v4  }
0x22: {  	(erf) = vpow2.f32 v2;
	v2 =	vmul.f32 $1.442695020e+00, v3;
	v3 =	vld [tilespmem:s15+$0x1080];
	v1 =	vsub.f32 $0.0e+00, v1;
	_ =	sdelay $0x1  }
0x23: {  	v5 =	vsub.f32 $0.0e+00, v5;
	v6 =	vsub.f32 $0.0e+00, v6;
	v1 =	vmul.f32 $1.442695020e+00, v1  }
0x24: {  	v8 =	vld [tilespmem:s15+$0x480];
	v7 =	vsub.f32 $0.0e+00, v7;
	(erf) = vpow2.f32 v2;
	v2 =	vmul.f32 $1.442695020e+00, v4;
	v4 =	vpop (erf)  }
0x25: {  	v9 =	vld [tilespmem:s15+$0x2480];
	v5 =	vmul.f32 $1.442695020e+00, v5;
	(erf) = vpow2.f32 v1;
	v4 =	vadd.f32 $1.000000000e+00, v4  }
0x26: {  	v1 =	vld [tilespmem:s15+$0x80];
	(erf) = vpow2.f32 v2;
	v2 =	vsub.f32 $0.0e+00, v3;
	v3 =	vmul.f32 $1.442695020e+00, v6  }
0x27: {  	(erf) = vpow2.f32 v5  }
0x28: {  	v5 =	vmul.f32 $1.442695020e+00, v7;
	(erf) = vrcp.f32 v4  }
0x29: {  	v6 =	vsub.f32 $0.0e+00, v8;
	v4 =	vld [tilespmem:s15+$0x880];
	(erf) = vpow2.f32 v3  }
0x2a: {  	v7 =	vld [tilespmem:s15+$0x1880];
	v2 =	vmul.f32 $1.442695020e+00, v2;
	v3 =	vpop (erf);
	(erf) = vpow2.f32 v5;
	v5 =	vsub.f32 $0.0e+00, v9  }
0x2b: {  	v8 =	vld [tilespmem:s15+$0x1C80];
	v6 =	vmul.f32 $1.442695020e+00, v6;
	v1 =	vsub.f32 $0.0e+00, v1  }
0x2c: {  	v3 =	vadd.f32 $1.000000000e+00, v3;
	(erf) = vpow2.f32 v2;
	v5 =	vmul.f32 $1.442695020e+00, v5  }
0x2d: {  	v1 =	vmul.f32 $1.442695020e+00, v1;
	(erf) = vpow2.f32 v6  }
0x2e: {  	v2 =	vpop (erf);
	(erf) = vrcp.f32 v3;
	v3 =	vsub.f32 $0.0e+00, v4  }
0x2f: {  	v4 =	vsub.f32 $0.0e+00, v7;
	v2 =	vadd.f32 $1.000000000e+00, v2;
	v6 =	vpop (erf);
	(erf) = vpow2.f32 v1  }
0x30: {  	v1 =	vsub.f32 $0.0e+00, v8;
	(erf) = vpow2.f32 v5;
	v3 =	vmul.f32 $1.442695020e+00, v3;
	v5 =	vpop (erf)  }
0x31: {  	v7 =	vpop (erf);
	(erf) = vrcp.f32 v2;
	v2 =	vmul.f32 $1.442695020e+00, v4  }
0x32: {  	v1 =	vmul.f32 $1.442695020e+00, v1;
	v8 =	vpop (erf);
	(erf) = vpow2.f32 v3  }
0x33: {  	v4 =	vadd.f32 $1.000000000e+00, v6;
	(erf) = vpow2.f32 v2  }
0x34: {  	v3 =	vpop (erf);
	(erf) = vpow2.f32 v1;
	v1 =	vadd.f32 $1.000000000e+00, v5  }
0x35: {  	v2 =	vpop (erf)  }
0x36: {  	v6 =	vld [tilespmem:s15+$0x1480];
	v7 =	vadd.f32 $1.000000000e+00, v7;
	v5 =	vpop (erf)  }
0x37: {  	s16 =	simm.s32 $0x10;
	[tilespmem:s15+$0x3480] =	vst v8;
	(erf) = vrcp.f32 v4;
	v4 =	vpop (erf)  }
0x38: {  	v10 =	vld [tilespmem:s16+$0x3480];
	v2 =	vadd.f32 $1.000000000e+00, v2;
	(erf) = vrcp.f32 v1;
	v1 =	vpop (erf)  }
0x39: {  	v9 =	vpop (erf)  }
0x3a: {  	(erf) = vrcp.f32 v7;
	v7 =	vpop (erf)  }
0x3b: {  	v3 =	vadd.f32 $1.000000000e+00, v3;
	v6 =	vsub.f32 $0.0e+00, v6;
	v11 =	vpop (erf)  }
0x3c: {  	v5 =	vadd.f32 $1.000000000e+00, v5;
	(erf) = vrcp.f32 v2;
	v2 =	vpop (erf)  }
0x3d: {  	v6 =	vmul.f32 $1.442695020e+00, v6;
	v10 =	vsub.f32 $0.0e+00, v10;
	v13 =	vpop (erf);
	(erf) = vrcp.f32 v3  }
0x3e: {  	v4 =	vadd.f32 $1.000000000e+00, v4;
	(erf) = vrcp.f32 v5  }
0x3f: {  	v3 =	vpop (erf);
	v5 =	vmul.f32 $1.442695020e+00, v10;
	(erf) = vpow2.f32 v6  }
0x40: {  	[tilespmem:s15+$0x3C80] =	vst v1;
	v7 =	vadd.f32 $1.000000000e+00, v7;
	v15 =	vpop (erf);
	(erf) = vrcp.f32 v4  }
0x41: {  	v12 =	vld [tilespmem:s16+$0x3C80];
	[tilespmem:s15+$0x2C80] =	vst v11;
	v6 =	vpop (erf);
	v4 =	vadd.f32 $1.000000000e+00, v9;
	(erf) = vpow2.f32 v5  }
0x42: {  	v14 =	vld [tilespmem:s16+$0x2C80];
	(erf) = vrcp.f32 v7  }
0x43: {  	v2 =	vadd.f32 $1.000000000e+00, v2;
	[tilespmem:s15+$0x3880] =	vst v15;
	v16 =	vpop (erf);
	(erf) = vrcp.f32 v4  }
0x44: {  	v10 =	vld [tilespmem:s16+$0x3880];
	[tilespmem:s15+$0x2880] =	vst v6  }
0x45: {  	v5 =	vld [tilespmem:s16+$0x2880];
	v7 =	vpop (erf)  }
0x46: {  	[tilespmem:s15+$0xC80] =	vst v16;
	v4 =	vadd.f32 $1.000000000e+00, v13;
	v13 =	vpop (erf);
	(erf) = vrcp.f32 v2  }
0x47: {  	v3 =	vadd.f32 $1.000000000e+00, v3;
	v14 =	vsub.f32 $0.0e+00, v14;
	v9 =	vld [tilespmem:s16+$0xC80];
	[tilespmem:s15+$0x3080] =	vst v7;
	v2 =	vpop (erf)  }
0x48: {  	v17 =	vld [tilespmem:s16+$0x3080];
	(erf) = vrcp.f32 v4;
	v4 =	vsub.f32 $0.0e+00, v12;
	v12 =	vpop (erf)  }
0x49: {  	[tilespmem:s15+$0x2080] =	vst v13;
	(erf) = vrcp.f32 v3;
	v20 =	vpop (erf)  }
0x4a: {  	v5 =	vsub.f32 $0.0e+00, v5;
	v18 =	vld [tilespmem:s16+$0x2080];
	[tilespmem:s15+$0x1080] =	vst v2;
	v3 =	vadd.f32 v8, v7;
	v21 =	vmul.f32 $1.442695020e+00, v4;
	v22 =	vpop (erf)  }
0x4b: {  	v7 =	vsub.f32 $0.0e+00, v10;
	v19 =	vld [tilespmem:s16+$0x1080];
	v4 =	vadd.f32 v11, v6;
	v6 =	vmul.f32 $1.442695020e+00, v14;
	[tilespmem:s15+$0x480] =	vst v20;
	v14 =	vpop (erf)  }
0x4c: {  	v1 =	vadd.f32 v1, v15;
	v9 =	vsub.f32 $0.0e+00, v9;
	v11 =	vld [tilespmem:s16+$0x480];
	(erf) = vpow2.f32 v21;
	[tilespmem:s15+$0x2480] =	vst v14;
	v8 =	vpop (erf)  }
0x4d: {  	v15 =	vmul.f32 $1.442695020e+00, v5;
	v17 =	vsub.f32 $0.0e+00, v17;
	v7 =	vmul.f32 $1.442695020e+00, v7;
	v10 =	vld [tilespmem:s16+$0x2480];
	[tilespmem:s15+$0x80] =	vst v8  }
0x4e: {  	(erf) = vpow2.f32 v6;
	v6 =	vadd.f32 $1.000000000e+00, v12;
	v5 =	vadd.f32 v14, v13;
	v14 =	vld [tilespmem:s16+$0x80]  }
0x4f: {  	v9 =	vmul.f32 $1.442695020e+00, v9;
	v13 =	vpop (erf);
	(erf) = vpow2.f32 v7  }
0x50: {  	v17 =	vmul.f32 $1.442695020e+00, v17;
	(erf) = vrcp.f32 v6  }
0x51: {  	v12 =	vadd.f32 $1.000000000e+00, v22;
	v18 =	vsub.f32 $0.0e+00, v18;
	[tilespmem:s15+$0x880] =	vst v13;
	v7 =	vpop (erf);
	(erf) = vpow2.f32 v15  }
0x52: {  	v8 =	vadd.f32 v20, v8;
	v19 =	vsub.f32 $0.0e+00, v19;
	[tilespmem:s15+$0x1880] =	vst v7;
	v6 =	vpop (erf);
	(erf) = vpow2.f32 v9  }
0x53: {  	v18 =	vmul.f32 $1.442695020e+00, v18;
	v15 =	vld [tilespmem:s16+$0x1880];
	[tilespmem:s15+$0x1C80] =	vst v6;
	(erf) = vrcp.f32 v12;
	v12 =	vsub.f32 $0.0e+00, v14  }
0x54: {  	v11 =	vsub.f32 $0.0e+00, v11;
	v19 =	vmul.f32 $1.442695020e+00, v19;
	v6 =	vadd.f32 v6, v7;
	v62 =	vld [tilespmem:s16+$0x1C80]  }
0x55: {  	v10 =	vsub.f32 $0.0e+00, v10;
	v7 =	vpop (erf);
	(erf) = vpow2.f32 v18;
	v14 =	vmul.f32 $1.442695020e+00, v12;
	v12 =	vld [tilespmem:s16+$0x880]  }
0x56: {  	v9 =	vadd.f32 v16, v13;
	v11 =	vmul.f32 $1.442695020e+00, v11;
	(erf) = vpow2.f32 v17  }
0x57: {  	v10 =	vmul.f32 $1.442695020e+00, v10;
	v63 =	vadd.f32 $1.000000000e+00, v7;
	(erf) = vpow2.f32 v19  }
0x58: {  	v7 =	vadd.f32 v9, v8;
	v8 =	vpop (erf);
	v9 =	vsub.f32 $0.0e+00, v15;
	(erf) = vpow2.f32 v11  }
0x59: {  	s17 =	simm.s32 $0x80;
	v11 =	vadd.f32 $1.000000000e+00, v8;
	v13 =	vsub.f32 $0.0e+00, v62;
	v8 =	vpop (erf);
	(erf) = vrcp.f32 v63  }
.LBB2_2:
0x5a: {  	s0 =	sshra.s32 s17, $0x2;
	p0 =	sne.s32 s17, $0xFC0;
	s17 =	sadd.s32 $0x40, s17;
	v12 =	vsub.f32 $0.0e+00, v12;
	(erf) = vpow2.f32 v14;
	v4 =	vadd.f32 v4, v5;
	v5 =	vpop (erf)  }
0x5b: {  	v13 =	vmul.f32 $1.442695020e+00, v13;
	(erf) = vpow2.f32 v10;
	v10 =	vpop (erf);
	[tilespmem:s15+$0x1480] =	vst v5;
	v2 =	vadd.f32 v5, v2  }
0x5c: {  	v1 =	vadd.f32 v1, v3;
	v15 =	vmul.f32 $1.442695020e+00, v12;
	v12 =	vld [tilespmem:s16+$0x1480];
	v14 =	vpop (erf);
	(erf) = vrcp.f32 v11  }
0x5d: {  	v11 =	vmul.f32 $1.442695020e+00, v9;
	v9 =	vpop (erf);
	v2 =	vadd.f32 v6, v2  }
0x5e: {  	v1 =	vadd.f32 v1, v4;
	v6 =	vadd.f32 $1.000000000e+00, v10;
	[tilespmem:s16+$0x3480] =	vst v9;
	(erf) = vpow2.f32 v15;
	v5 =	vpop (erf)  }
0x5f: {  	v4 =	vadd.f32 $1.000000000e+00, v8;
	(erf) = vpow2.f32 v11;
	v3 =	vpop (erf);
	v2 =	vadd.f32 v2, v7  }
0x60: {  	v8 =	vadd.f32 $1.000000000e+00, v14;
	v7 =	vld [tilespmem:s0+$0x3480];
	v3 =	vadd.f32 $1.000000000e+00, v3;
	v10 =	vpop (erf);
	(erf) = vpow2.f32 v13  }
0x61: {  	v10 =	vadd.f32 $1.000000000e+00, v10;
	v13 =	vsub.f32 $0.0e+00, v12;
	v12 =	vpop (erf);
	(erf) = vrcp.f32 v4  }
0x62: {  	v1 =	vadd.f32 v1, v2;
	v4 =	vadd.f32 $1.000000000e+00, v12;
	(erf) = vrcp.f32 v6;
	v6 =	vpop (erf)  }
0x63: {  	v2 =	vmul.f32 $1.442695020e+00, v13;
	v13 =	vadd.f32 $1.000000000e+00, v5;
	[tilespmem:s16+$0x3C80] =	vst v6;
	v11 =	vpop (erf);
	(erf) = vrcp.f32 v8  }
0x64: {  	v8 =	vld [tilespmem:s0+$0x3C80];
	v11 =	vadd.f32 $1.000000000e+00, v11;
	v12 =	vpop (erf);
	(erf) = vrcp.f32 v3;
	[tilespmem:s15+$0x4080] =	vst v1;
	s15 =	smov.u32 s16;
	s16 =	smov.u32 s0  }
0x65: {  	v1 =	vsub.f32 $0.0e+00, v7;
	v3 =	vadd.f32 $1.000000000e+00, v12;
	(erf) = vrcp.f32 v13;
	v5 =	vpop (erf)  }
0x66: {  	[tilespmem:s15+$0x2C80] =	vst v5;
	(erf) = vrcp.f32 v10  }
0x67: {  	v7 =	vld [tilespmem:s16+$0x2C80];
	v12 =	vmul.f32 $1.442695020e+00, v1;
	v10 =	vpop (erf);
	(erf) = vpow2.f32 v2  }
0x68: {  	v2 =	vadd.f32 $1.000000000e+00, v10;
	(erf) = vrcp.f32 v4;
	v4 =	vpop (erf)  }
0x69: {  	v8 =	vsub.f32 $0.0e+00, v8;
	(erf) = vpow2.f32 v12;
	v10 =	vadd.f32 $1.000000000e+00, v4;
	v1 =	vpop (erf)  }
0x6a: {  	v12 =	vadd.f32 $1.000000000e+00, v1;
	(erf) = vrcp.f32 v3;
	v1 =	vpop (erf)  }
0x6b: {  	v8 =	vmul.f32 $1.442695020e+00, v8;
	[tilespmem:s15+$0x3880] =	vst v1;
	v1 =	vadd.f32 v6, v1;
	(erf) = vrcp.f32 v11;
	v3 =	vpop (erf)  }
0x6c: {  	v6 =	vsub.f32 $0.0e+00, v7;
	v7 =	vld [tilespmem:s16+$0x3880];
	[tilespmem:s15+$0x2880] =	vst v3;
	v4 =	vadd.f32 v5, v3;
	(erf) = vrcp.f32 v2;
	v11 =	vpop (erf)  }
0x6d: {  	v5 =	vld [tilespmem:s16+$0x2880];
	[tilespmem:s15+$0xC80] =	vst v11;
	(erf) = vrcp.f32 v10;
	v2 =	vpop (erf)  }
0x6e: {  	v10 =	vld [tilespmem:s16+$0xC80];
	v13 =	vmul.f32 $1.442695020e+00, v6;
	[tilespmem:s15+$0x3080] =	vst v2;
	v3 =	vadd.f32 v9, v2;
	(erf) = vrcp.f32 v12;
	v9 =	vpop (erf)  }
0x6f: {  	v12 =	vld [tilespmem:s16+$0x3080];
	(erf) = vpow2.f32 v8;
	[tilespmem:s15+$0x2080] =	vst v9;
	v2 =	vpop (erf)  }
0x70: {  	v8 =	vld [tilespmem:s16+$0x2080];
	(erf) = vpow2.f32 v13;
	[tilespmem:s15+$0x1080] =	vst v2;
	v6 =	vpop (erf)  }
0x71: {  	v13 =	vld [tilespmem:s16+$0x1080];
	v7 =	vsub.f32 $0.0e+00, v7;
	v6 =	vadd.f32 $1.000000000e+00, v6;
	v14 =	vpop (erf)  }
0x72: {  	v5 =	vsub.f32 $0.0e+00, v5;
	v15 =	vpop (erf);
	[tilespmem:s15+$0x480] =	vst v14  }
0x73: {  	v16 =	vld [tilespmem:s16+$0x480];
	v10 =	vsub.f32 $0.0e+00, v10;
	v15 =	vadd.f32 $1.000000000e+00, v15;
	v19 =	vmul.f32 $1.442695020e+00, v7;
	v17 =	vpop (erf)  }
0x74: {  	v18 =	vmul.f32 $1.442695020e+00, v5;
	v21 =	vsub.f32 $0.0e+00, v12;
	[tilespmem:s15+$0x2480] =	vst v17;
	v5 =	vadd.f32 v17, v9;
	v9 =	vpop (erf)  }
0x75: {  	v22 =	vmul.f32 $1.442695020e+00, v10;
	v8 =	vsub.f32 $0.0e+00, v8;
	v17 =	vld [tilespmem:s16+$0x2480];
	(erf) = vpow2.f32 v19;
	[tilespmem:s15+$0x80] =	vst v9;
	v7 =	vpop (erf)  }
0x76: {  	v19 =	vld [tilespmem:s16+$0x80];
	v13 =	vsub.f32 $0.0e+00, v13;
	v20 =	vmul.f32 $1.442695020e+00, v21;
	[tilespmem:s15+$0x880] =	vst v7;
	(erf) = vrcp.f32 v6;
	v6 =	vpop (erf)  }
0x77: {  	v9 =	vadd.f32 v14, v9;
	v8 =	vmul.f32 $1.442695020e+00, v8;
	(erf) = vpow2.f32 v18;
	[tilespmem:s15+$0x1880] =	vst v6;
	v12 =	vpop (erf)  }
0x78: {  	v14 =	vsub.f32 $0.0e+00, v16;
	v13 =	vmul.f32 $1.442695020e+00, v13;
	v16 =	vld [tilespmem:s16+$0x1880];
	(erf) = vpow2.f32 v22;
	v10 =	vpop (erf);
	[tilespmem:s15+$0x1C80] =	vst v12  }
0x79: {  	v7 =	vadd.f32 v11, v7;
	v6 =	vadd.f32 v12, v6;
	v18 =	vld [tilespmem:s16+$0x1C80];
	v21 =	vpop (erf);
	(erf) = vrcp.f32 v15  }
.Ltmp0:
0x7a: {  	v11 =	vmul.f32 $1.442695020e+00, v14;
	v12 =	vld [tilespmem:s16+$0x880];
	v14 =	vsub.f32 $0.0e+00, v17;
	(erf) = vpow2.f32 v8;
	(pc) =	sbr.rel @p0 .LBB2_2-.Ltmp0, $4  }
0x7b: {  	v15 =	vadd.f32 $1.000000000e+00, v10;
	v17 =	vsub.f32 $0.0e+00, v19;
	(erf) = vpow2.f32 v20  }
0x7c: {  	v7 =	vadd.f32 v7, v9;
	v10 =	vmul.f32 $1.442695020e+00, v14;
	(erf) = vpow2.f32 v13  }
0x7d: {  	v14 =	vmul.f32 $1.442695020e+00, v17;
	v9 =	vsub.f32 $0.0e+00, v16;
	(erf) = vpow2.f32 v11  }
0x7e: {  	v11 =	vadd.f32 $1.000000000e+00, v21;
	v13 =	vsub.f32 $0.0e+00, v18;
	v8 =	vpop (erf);
	(erf) = vrcp.f32 v15  }
0x7f: {  	v12 =	vsub.f32 $0.0e+00, v12  }
0x80: {  	(erf) = vpow2.f32 v14;
	v28 =	vpop (erf)  }
0x81: {  	(erf) = vpow2.f32 v10;
	v29 =	vpop (erf);
	v12 =	vmul.f32 $1.442695020e+00, v12  }
0x82: {  	v9 =	vmul.f32 $1.442695020e+00, v9;
	[tilespmem:s15+$0x1480] =	vst v28;
	v15 =	vpop (erf);
	(erf) = vrcp.f32 v11  }
0x83: {  	v30 =	vmul.f32 $1.442695020e+00, v13;
	v31 =	vld [tilespmem:s16+$0x1480];
	v16 =	vpop (erf);
	(erf) = vpow2.f32 v12  }
0x84: {  	v8 =	vadd.f32 $1.000000000e+00, v8;
	v32 =	vpop (erf);
	(erf) = vpow2.f32 v9  }
0x85: {  	v33 =	vadd.f32 $1.000000000e+00, v29;
	v34 =	vpop (erf);
	(erf) = vpow2.f32 v30  }
0x86: {  	v35 =	vadd.f32 $1.000000000e+00, v15;
	v36 =	vpop (erf);
	(erf) = vrcp.f32 v8  }
0x87: {  	v37 =	vadd.f32 $1.000000000e+00, v34;
	v38 =	vpop (erf);
	(erf) = vrcp.f32 v33  }
0x88: {  	v12 =	vadd.f32 $1.000000000e+00, v32;
	v39 =	vsub.f32 $0.0e+00, v31;
	v40 =	vpop (erf);
	(erf) = vrcp.f32 v35  }
0x89: {  	v41 =	vadd.f32 $1.000000000e+00, v36;
	v42 =	vpop (erf);
	(erf) = vrcp.f32 v37  }
0x8a: {  	v43 =	vmul.f32 $1.442695020e+00, v39;
	v44 =	vpop (erf);
	(erf) = vrcp.f32 v12  }
0x8b: {  	v45 =	vpop (erf);
	(erf) = vrcp.f32 v41  }
0x8c: {  	v46 =	vpop (erf);
	(erf) = vpow2.f32 v43  }
0x8d: {  	v47 =	vpop (erf)  }
0x8e: {  	v17 =	vpop (erf)  }
0x8f: {  	v18 =	vpop (erf)  }
0x90: {  	v4 =	vadd.f32 v4, v5;
	v10 =	vadd.f32 $1.000000000e+00, v38;
	v19 =	vpop (erf)  }
0x91: {  	v2 =	vadd.f32 v28, v2;
	v9 =	vadd.f32 $1.000000000e+00, v44;
	v20 =	vpop (erf)  }
0x92: {  	v1 =	vadd.f32 v1, v3;
	v48 =	vadd.f32 $1.000000000e+00, v42;
	(erf) = vrcp.f32 v10;
	v49 =	vpop (erf)  }
0x93: {  	v2 =	vadd.f32 v6, v2;
	v11 =	vadd.f32 $1.000000000e+00, v46;
	(erf) = vrcp.f32 v9;
	v50 =	vpop (erf)  }
0x94: {  	v1 =	vadd.f32 v1, v4;
	v3 =	vadd.f32 $1.000000000e+00, v47;
	(erf) = vrcp.f32 v48;
	v51 =	vpop (erf)  }
0x95: {  	v2 =	vadd.f32 v2, v7;
	v52 =	vadd.f32 $1.000000000e+00, v17;
	(erf) = vrcp.f32 v11;
	v53 =	vpop (erf)  }
0x96: {  	(erf) = vrcp.f32 v3;
	v3 =	vadd.f32 $1.000000000e+00, v53  }
0x97: {  	v1 =	vadd.f32 v1, v2;
	(erf) = vrcp.f32 v52  }
0x98: {  	(erf) = vrcp.f32 v3  }
0x99: {  	[tilespmem:s16+$0x3480] =	vst v16  }
0x9a: {  	[tilespmem:s16+$0x3C80] =	vst v40  }
0x9b: {  	[tilespmem:s15+$0x4080] =	vst v1;
	v1 =	vpop (erf)  }
0x9c: {  	[tilespmem:s16+$0x2C80] =	vst v45;
	v2 =	vpop (erf)  }
0x9d: {  	[tilespmem:s16+$0x3880] =	vst v18;
	v3 =	vpop (erf)  }
0x9e: {  	[tilespmem:s16+$0x2880] =	vst v19;
	v54 =	vpop (erf)  }
0x9f: {  	v55 =	vadd.f32 v40, v18;
	v56 =	vadd.f32 v45, v19;
	[tilespmem:s16+$0xC80] =	vst v20;
	v57 =	vpop (erf)  }
0xa0: {  	[tilespmem:s16+$0x3080] =	vst v49;
	v10 =	vadd.f32 v16, v49;
	v58 =	vadd.f32 v2, v50;
	v59 =	vpop (erf)  }
0xa1: {  	[tilespmem:s16+$0x2080] =	vst v50;
	v60 =	vadd.f32 v1, v3;
	v61 =	vadd.f32 v20, v54;
	v62 =	vpop (erf)  }
0xa2: {  	[tilespmem:s16+$0x1080] =	vst v51;
	v63 =	vadd.f32 v59, v57;
	v5 =	vadd.f32 v62, v51  }
0xa3: {  	[tilespmem:s16+$0x2480] =	vst v2;
	v2 =	vadd.f32 v55, v10;
	v7 =	vadd.f32 v56, v58  }
0xa4: {  	[tilespmem:s16+$0x480] =	vst v1;
	v1 =	vadd.f32 v61, v60;
	v5 =	vadd.f32 v63, v5  }
0xa5: {  	[tilespmem:s16+$0x80] =	vst v3  }
0xa6: {  	[tilespmem:s16+$0x880] =	vst v54;
	v2 =	vadd.f32 v2, v7;
	v1 =	vadd.f32 v5, v1  }
0xa7: {  	[tilespmem:s16+$0x1880] =	vst v57  }
0xa8: {  	[tilespmem:s16+$0x1C80] =	vst v59;
	v1 =	vadd.f32 v2, v1  }
0xa9: {  	[tilespmem:s16+$0x1480] =	vst v62  }
0xaa: {  	s0 =	simm.s32 $0x0;
	[tilespmem:s16+$0x4080] =	vst v1  }
0xab: {  	v1 =	vld [tilespmem:s0+$0x0];
	_ =	sdelay $0x4  }
0xac: {  	v1 =	vsub.f32 $0.0e+00, v1;
	_ =	sdelay $0x1  }
0xad: {  	v1 =	vmul.f32 $1.442695020e+00, v1;
	_ =	sdelay $0x1  }
0xae: {  	(erf) = vpow2.f32 v1;
	_ =	sdelay $0x4  }
0xaf: {  	s15 =	simm.s32 $0x10  }
0xb0: {  	v1 =	vld [tilespmem:s15+$0x0];
	_ =	sdelay $0x2  }
0xb1: {  	v2 =	vpop (erf)  }
0xb2: {  	v2 =	vadd.f32 $1.000000000e+00, v2  }
0xb3: {  	v1 =	vsub.f32 $0.0e+00, v1  }
0xb4: {  	(erf) = vrcp.f32 v2  }
0xb5: {  	v1 =	vmul.f32 $1.442695020e+00, v1;
	_ =	sdelay $0x1  }
0xb6: {  	(erf) = vpow2.f32 v1;
	_ =	sdelay $0x5  }
0xb7: {  	v2 =	vpop (erf)  }
0xb8: {  	(v2sf) =	vpush v2, $0x0  }
0xb9: {  	(v2sf) =	vpush v2, $0x1  }
0xba: {  	v1 =	vpop (erf)  }
0xbb: {  	v1 =	vadd.f32 $1.000000000e+00, v1;
	_ =	sdelay $0x1  }
0xbc: {  	(erf) = vrcp.f32 v1;
	_ =	sdelay $0x2  }
0xbd: {  	(v2sf) =	vpush v2, $0x2  }
0xbe: {  	(v2sf) =	vpush v2, $0x3  }
0xbf: {  	(v2sf) =	vpush v2, $0x4  }
0xc0: {  	(v2sf) =	vpush v2, $0x5  }
0xc1: {  	(v2sf) =	vpush v2, $0x6  }
0xc2: {  	(v2sf) =	vpush v2, $0x7  }
0xc3: {  	(v2sf) =	vpush v2, $0x8;
	v1 =	vpop (erf)  }
0xc4: {  	s16 =	spop (v2sf);
	(v2sf) =	vpush v1, $0x0  }
0xc5: {  	s17 =	spop (v2sf);
	(v2sf) =	vpush v1, $0x1;
	_ =	sdelay $0x3  }
0xc6: {  	s1 =	simm.s32 $0x20  }
0xc7: {  	v3 =	vld [tilespmem:s1+$0x0]  }
0xc8: {  	s21 =	sadd.f32 s17, s16;
	(v2sf) =	vpush v2, $0x9  }
0xc9: {  	s22 =	spop (v2sf);
	(v2sf) =	vpush v1, $0x2  }
0xca: {  	s28 =	spop (v2sf);
	s1 =	sadd.f32 s21, s22;
	(v2sf) =	vpush v2, $0xA  }
0xcb: {  	s19 =	spop (v2sf);
	(v2sf) =	vpush v1, $0x3  }
0xcc: {  	v3 =	vsub.f32 $0.0e+00, v3;
	s20 =	spop (v2sf);
	s1 =	sadd.f32 s1, s28;
	(v2sf) =	vpush v2, $0xB  }
0xcd: {  	s21 =	spop (v2sf);
	(v2sf) =	vpush v1, $0x4  }
0xce: {  	v3 =	vmul.f32 $1.442695020e+00, v3;
	s18 =	spop (v2sf);
	s1 =	sadd.f32 s1, s19;
	(v2sf) =	vpush v2, $0xC  }
0xcf: {  	s26 =	spop (v2sf);
	(v2sf) =	vpush v1, $0x5  }
0xd0: {  	(erf) = vpow2.f32 v3;
	s1 =	sadd.f32 s1, s20;
	s0 =	spop (v2sf);
	(v2sf) =	vpush v2, $0xD  }
0xd1: {  	s29 =	spop (v2sf);
	(v2sf) =	vpush v1, $0x6  }
0xd2: {  	s1 =	sadd.f32 s1, s21;
	(v2sf) =	vpush v2, $0xE  }
0xd3: {  	(v2sf) =	vpush v1, $0x7  }
0xd4: {  	s3 =	simm.s32 $0x0;
	s1 =	sadd.f32 s1, s18;
	(v2sf) =	vpush v2, $0xF  }
0xd5: {  	[smem:s3] =	sst s16  }
0xd6: {  	s1 =	sadd.f32 s1, s26  }
0xd7: {  	s23 =	sadd.f32 s29, s0;
	s30 =	spop (v2sf)  }
0xd8: {  	s25 =	simm.s32 $0x8;
	s24 =	spop (v2sf);
	s4 =	sadd.f32 s1, s30  }
0xd9: {  	s31 =	simm.s32 $0xC0;
	v3 =	vpop (erf);
	s3 =	sadd.f32 s23, s24;
	s1 =	spop (v2sf)  }
0xda: {  	s16 =	simm.s32 $0x8;
	v2 =	vadd.f32 $1.000000000e+00, v3;
	s23 =	spop (v2sf);
	s4 =	sadd.f32 s4, s1  }
.LBB2_4:
0xdb: {  	p0 =	sne.s32 s31, $0x1C0;
	s3 =	sadd.f32 s3, s23;
	s11 =	spop (v2sf)  }
0xdc: {  	(erf) = vrcp.f32 v2;
	s6 =	spop (v2sf);
	s4 =	sadd.f32 s4, s11  }
0xdd: {  	s3 =	sadd.f32 s3, s6;
	s12 =	spop (v2sf)  }
0xde: {  	s7 =	spop (v2sf);
	s4 =	sadd.f32 s4, s12  }
0xdf: {  	s3 =	sadd.f32 s3, s7;
	s13 =	spop (v2sf)  }
0xe0: {  	s2 =	spop (v2sf);
	s5 =	sadd.f32 s4, s13  }
0xe1: {  	s3 =	sadd.f32 s3, s2;
	s4 =	spop (v2sf)  }
0xe2: {  	s8 =	spop (v2sf);
	s14 =	sadd.f32 s5, s4  }
0xe3: {  	s9 =	sadd.f32 s3, s8;
	s5 =	spop (v2sf)  }
0xe4: {  	s15 =	sadd.s32 $0xFFFFFFF9, s25;
	s3 =	sadd.f32 s14, s5  }
0xe5: {  	s14 =	sadd.s32 $0xFFFFFFFA, s25;
	v2 =	vpop (erf);
	(v2sf) =	vpush v1, $0x8;
	[smem:s15] =	sst s17;
	s17 =	smov.u32 s29  }
0xe6: {  	s15 =	sshra.s32 s31, $0x2;
	(v2sf) =	vpush v2, $0x0;
	[smem:s14] =	sst s22;
	s14 =	sadd.s32 $0xFFFFFFFB, s25  }
0xe7: {  	s25 =	sadd.s32 $0x18, s25;
	v3 =	vld [tilespmem:s15+$0x0];
	(v2sf) =	vpush v2, $0x1;
	[smem:s14] =	sst s28;
	s14 =	sadd.s32 $0xFFFFFFFC, s16  }
0xe8: {  	s15 =	sadd.s32 $0xFFFFFFF8, s25;
	(v2sf) =	vpush v1, $0x9;
	[smem:s14] =	sst s19;
	s19 =	smov.u32 s6  }
0xe9: {  	s22 =	smov.u32 s24;
	(v2sf) =	vpush v2, $0x2;
	[smem:s15] =	sst s0;
	s0 =	sadd.s32 $0xFFFFFFFD, s16  }
0xea: {  	(v2sf) =	vpush v1, $0xA;
	[smem:s0] =	sst s20;
	s0 =	sadd.s32 $0xFFFFFFFE, s16;
	s20 =	smov.u32 s7  }
0xeb: {  	(v2sf) =	vpush v2, $0x3;
	[smem:s0] =	sst s21;
	s0 =	sadd.s32 $0xFFFFFFFF, s16;
	s21 =	smov.u32 s2  }
0xec: {  	s28 =	smov.u32 s23;
	v3 =	vsub.f32 $0.0e+00, v3;
	(v2sf) =	vpush v1, $0xB;
	[smem:s0] =	sst s18;
	s18 =	smov.u32 s8  }
0xed: {  	s0 =	sadd.s32 $0x1, s16;
	(v2sf) =	vpush v2, $0x4;
	[smem:s16] =	sst s26  }
0xee: {  	v3 =	vmul.f32 $1.442695020e+00, v3;
	(v2sf) =	vpush v1, $0xC;
	[smem:s0] =	sst s30;
	s0 =	sadd.s32 $0x2, s16  }
0xef: {  	(v2sf) =	vpush v2, $0x5;
	[smem:s0] =	sst s1;
	s0 =	sadd.s32 $0x3, s16  }
0xf0: {  	(erf) = vpow2.f32 v3;
	(v2sf) =	vpush v1, $0xD;
	[smem:s0] =	sst s11;
	s0 =	sadd.s32 $0x4, s16  }
0xf1: {  	(v2sf) =	vpush v2, $0x6;
	[smem:s0] =	sst s12;
	s0 =	sadd.s32 $0x5, s16  }
0xf2: {  	(v2sf) =	vpush v1, $0xE;
	[smem:s0] =	sst s13;
	s0 =	sadd.s32 $0x6, s16  }
0xf3: {  	(v2sf) =	vpush v2, $0x7;
	[smem:s0] =	sst s4;
	s0 =	sadd.s32 $0x7, s16  }
0xf4: {  	s1 =	sadd.s32 $0x8, s16;
	s26 =	spop (v2sf);
	(v2sf) =	vpush v1, $0xF;
	[smem:s0] =	sst s5;
	v1 =	vmov v2  }
0xf5: {  	[smem:s1] =	sst s3  }
0xf6: {  	s16 =	smov.u32 s25;
	s0 =	spop (v2sf);
	s1 =	sadd.f32 s9, s26  }
.Ltmp1:
0xf7: {  	s29 =	spop (v2sf);
	(pc) =	sbr.rel @p0 .LBB2_4-.Ltmp1, $4  }
0xf8: {  	s2 =	sadd.f32 s29, s0;
	s30 =	spop (v2sf)  }
0xf9: {  	s24 =	spop (v2sf);
	s4 =	sadd.f32 s1, s30  }
0xfa: {  	v2 =	vpop (erf);
	s3 =	sadd.f32 s2, s24;
	s1 =	spop (v2sf)  }
0xfb: {  	s31 =	sadd.s32 $0x40, s31;
	v2 =	vadd.f32 $1.000000000e+00, v2;
	s23 =	spop (v2sf);
	s4 =	sadd.f32 s4, s1  }
0xfc: {  	s2 =	sadd.s32 $0xFFFFFFF9, s25  }
0xfd: {  	s11 =	sadd.s32 $0xFFFFFFFA, s25;
	[smem:s2] =	sst s17  }
0xfe: {  	s12 =	sadd.s32 $0xFFFFFFFB, s25;
	[smem:s11] =	sst s22  }
0xff: {  	s22 =	spop (v2sf);
	[smem:s12] =	sst s28  }
0x100: {  	s13 =	sadd.s32 $0xFFFFFFFC, s16;
	s17 =	sadd.s32 $0x18, s25;
	s4 =	sadd.f32 s4, s22  }
0x101: {  	(erf) = vrcp.f32 v2;
	s14 =	sadd.s32 $0xFFFFFFF8, s17;
	[smem:s13] =	sst s19  }
0x102: {  	[smem:s14] =	sst s0  }
0x103: {  	s15 =	sadd.s32 $0xFFFFFFFD, s16;
	s25 =	spop (v2sf);
	s19 =	sadd.f32 s3, s23  }
0x104: {  	s6 =	spop (v2sf);
	[smem:s15] =	sst s20  }
0x105: {  	s20 =	sadd.s32 $0xFFFFFFFE, s16;
	s4 =	sadd.f32 s4, s6  }
0x106: {  	[smem:s20] =	sst s21  }
0x107: {  	s21 =	sadd.s32 $0xFFFFFFFF, s16;
	s2 =	sadd.f32 s19, s25  }
0x108: {  	[smem:s21] =	sst s18  }
0x109: {  	s21 =	sadd.s32 $0xFFFFFFF9, s17;
	[smem:s16] =	sst s26  }
0x10a: {  	s5 =	sadd.s32 $0x1, s16;
	(v2sf) =	vpush v1, $0x8;
	[smem:s21] =	sst s29;
	v2 =	vpop (erf)  }
0x10b: {  	s8 =	sadd.s32 $0xFFFFFFFA, s17;
	[smem:s5] =	sst s30;
	(v2sf) =	vpush v2, $0x0  }
0x10c: {  	s5 =	spop (v2sf);
	[smem:s8] =	sst s24  }
0x10d: {  	s7 =	sadd.s32 $0x2, s16;
	s2 =	sadd.f32 s2, s5;
	(v2sf) =	vpush v2, $0x1  }
0x10e: {  	[smem:s7] =	sst s1;
	s26 =	spop (v2sf);
	(v2sf) =	vpush v1, $0x9  }
0x10f: {  	s28 =	sadd.s32 $0x3, s16;
	s4 =	sadd.f32 s4, s26  }
0x110: {  	s30 =	sadd.s32 $0x4, s16;
	[smem:s28] =	sst s22  }
0x111: {  	s31 =	spop (v2sf);
	[smem:s30] =	sst s6  }
0x112: {  	s9 =	sadd.s32 $0x5, s16;
	s2 =	sadd.f32 s2, s31;
	(v2sf) =	vpush v2, $0x2  }
0x113: {  	s11 =	spop (v2sf);
	[smem:s9] =	sst s26;
	(v2sf) =	vpush v1, $0xA  }
0x114: {  	s14 =	sadd.s32 $0x6, s16;
	s13 =	sadd.f32 s4, s11;
	(v2sf) =	vpush v2, $0x3  }
0x115: {  	s12 =	spop (v2sf);
	[smem:s14] =	sst s11;
	(v2sf) =	vpush v1, $0xB  }
0x116: {  	s9 =	sadd.s32 $0xFFFFFFFB, s17;
	s15 =	spop (v2sf);
	s2 =	sadd.f32 s2, s12;
	(v2sf) =	vpush v2, $0x4  }
0x117: {  	s18 =	sadd.s32 $0x7, s16;
	[smem:s9] =	sst s23;
	(v2sf) =	vpush v1, $0xC  }
0x118: {  	[smem:s18] =	sst s15;
	(v2sf) =	vpush v2, $0x5  }
0x119: {  	s24 =	sadd.s32 $0xFFFFFFFC, s17;
	s1 =	sadd.f32 s13, s15;
	s20 =	spop (v2sf);
	(v2sf) =	vpush v1, $0xD  }
0x11a: {  	[smem:s24] =	sst s25;
	s25 =	sadd.s32 $0xFFFFFFFD, s17;
	s4 =	spop (v2sf);
	(v2sf) =	vpush v2, $0x6  }
0x11b: {  	s19 =	sadd.s32 $0x8, s16;
	[smem:s25] =	sst s5;
	(v2sf) =	vpush v1, $0xE  }
0x11c: {  	s29 =	sadd.s32 $0xFFFFFFFE, s17;
	[smem:s19] =	sst s1;
	s1 =	spop (v2sf);
	(v2sf) =	vpush v2, $0x7  }
0x11d: {  	[smem:s29] =	sst s31;
	s22 =	spop (v2sf);
	(v2sf) =	vpush v1, $0xF  }
0x11e: {  	s31 =	sadd.s32 $0xFFFFFFFF, s17;
	s2 =	sadd.f32 s2, s20  }
0x11f: {  	[smem:s31] =	sst s12  }
0x120: {  	[smem:s17] =	sst s20  }
0x121: {  	s12 =	sadd.s32 $0x1, s17;
	s2 =	sadd.f32 s2, s22;
	s11 =	spop (v2sf)  }
0x122: {  	[smem:s12] =	sst s22;
	s26 =	spop (v2sf)  }
0x123: {  	s15 =	sadd.s32 $0x2, s17;
	s5 =	spop (v2sf);
	s28 =	sadd.f32 s2, s26  }
0x124: {  	[smem:s15] =	sst s26;
	s30 =	spop (v2sf)  }
0x125: {  	s18 =	sadd.s32 $0x3, s17;
	s0 =	sadd.f32 s28, s30;
	s3 =	spop (v2sf)  }
0x126: {  	[smem:s18] =	sst s30;
	s13 =	spop (v2sf)  }
0x127: {  	s19 =	sadd.s32 $0x4, s17;
	s14 =	spop (v2sf);
	s0 =	sadd.f32 s0, s13  }
0x128: {  	[smem:s19] =	sst s13;
	s16 =	spop (v2sf)  }
0x129: {  	s21 =	sadd.s32 $0x5, s17;
	s0 =	sadd.f32 s0, s16;
	s20 =	spop (v2sf)  }
0x12a: {  	[smem:s21] =	sst s16;
	s22 =	spop (v2sf)  }
0x12b: {  	s25 =	sadd.s32 $0x6, s17;
	s23 =	spop (v2sf);
	s24 =	sadd.f32 s0, s22  }
0x12c: {  	s28 =	sadd.s32 $0x7, s17;
	[smem:s25] =	sst s22;
	s26 =	spop (v2sf)  }
0x12d: {  	s0 =	sadd.s32 $0x18, s17;
	[smem:s28] =	sst s26  }
0x12e: {  	(v2sf) =	vpush v2, $0x8;
	s29 =	sadd.s32 $0xFFFFFFF8, s0;
	s7 =	sadd.f32 s24, s26  }
0x12f: {  	[smem:s29] =	sst s4  }
0x130: {  	s31 =	sadd.s32 $0xFFFFFFF9, s0;
	s4 =	sadd.f32 s1, s4  }
0x131: {  	(v2sf) =	vpush v2, $0x9;
	s30 =	sadd.s32 $0x8, s17;
	[smem:s31] =	sst s1  }
0x132: {  	[smem:s30] =	sst s7  }
0x133: {  	(v2sf) =	vpush v2, $0xA;
	s8 =	sadd.s32 $0xFFFFFFFA, s0;
	s4 =	sadd.f32 s4, s11  }
0x134: {  	[smem:s8] =	sst s11  }
0x135: {  	(v2sf) =	vpush v2, $0xB;
	s11 =	sadd.s32 $0xFFFFFFFB, s0;
	s7 =	sadd.f32 s4, s5  }
0x136: {  	[smem:s11] =	sst s5  }
0x137: {  	(v2sf) =	vpush v2, $0xC;
	s12 =	sadd.s32 $0xFFFFFFFC, s0;
	s1 =	sadd.f32 s7, s3  }
0x138: {  	[smem:s12] =	sst s3  }
0x139: {  	(v2sf) =	vpush v2, $0xD;
	s13 =	sadd.s32 $0xFFFFFFFD, s0;
	s1 =	sadd.f32 s1, s14  }
0x13a: {  	[smem:s13] =	sst s14  }
0x13b: {  	(v2sf) =	vpush v2, $0xE;
	s14 =	sadd.s32 $0xFFFFFFFE, s0;
	s1 =	sadd.f32 s1, s20  }
0x13c: {  	[smem:s14] =	sst s20  }
0x13d: {  	s16 =	sadd.s32 $0xFFFFFFFF, s0;
	s15 =	spop (v2sf);
	(v2sf) =	vpush v2, $0xF;
	s1 =	sadd.f32 s1, s23  }
0x13e: {  	[smem:s16] =	sst s23  }
0x13f: {  	s1 =	sadd.f32 s1, s15  }
0x140: {  	s17 =	spop (v2sf);
	[smem:s0] =	sst s15  }
0x141: {  	s18 =	sadd.s32 $0x1, s0;
	s1 =	sadd.f32 s1, s17  }
0x142: {  	s19 =	spop (v2sf);
	[smem:s18] =	sst s17  }
0x143: {  	s20 =	sadd.s32 $0x2, s0;
	s1 =	sadd.f32 s1, s19  }
0x144: {  	s21 =	spop (v2sf);
	[smem:s20] =	sst s19  }
0x145: {  	s22 =	sadd.s32 $0x3, s0;
	s1 =	sadd.f32 s1, s21  }
0x146: {  	s23 =	spop (v2sf);
	[smem:s22] =	sst s21  }
0x147: {  	s24 =	sadd.s32 $0x4, s0;
	s1 =	sadd.f32 s1, s23  }
0x148: {  	s25 =	spop (v2sf);
	[smem:s24] =	sst s23  }
0x149: {  	s26 =	sadd.s32 $0x5, s0;
	s1 =	sadd.f32 s1, s25  }
0x14a: {  	s28 =	spop (v2sf);
	[smem:s26] =	sst s25  }
0x14b: {  	s29 =	sadd.s32 $0x6, s0;
	s1 =	sadd.f32 s1, s28  }
0x14c: {  	s30 =	spop (v2sf);
	[smem:s29] =	sst s28  }
0x14d: {  	s31 =	sadd.s32 $0x7, s0;
	s1 =	sadd.f32 s1, s30  }
0x14e: {  	s0 =	sadd.s32 $0x8, s0;
	[smem:s31] =	sst s30  }
0x14f: {  	s16 =	simm.s32 $0x4480;
	s17 =	simm.s32 $0x0;
	[smem:s0] =	sst s1  }
.LBB2_6:
0x150: {  	s0 =	sshll.u32 s17, $0x4  }
0x151: {  	v2 =	vld [tilespmem:s0+$0x80]  }
0x152: {  	v3 =	vld [tilespmem:s0+$0x480]  }
0x153: {  	v4 =	vld [tilespmem:s0+$0x880]  }
0x154: {  	v5 =	vld [tilespmem:s0+$0xC80]  }
0x155: {  	v6 =	vld [tilespmem:s0+$0x1080]  }
0x156: {  	v7 =	vld [tilespmem:s0+$0x1480]  }
0x157: {  	v8 =	vld [tilespmem:s0+$0x1880]  }
0x158: {  	v9 =	vld [tilespmem:s0+$0x1C80]  }
0x159: {  	v10 =	vld [tilespmem:s0+$0x2080]  }
0x15a: {  	v11 =	vld [tilespmem:s0+$0x2480]  }
0x15b: {  	v12 =	vld [tilespmem:s0+$0x2880]  }
0x15c: {  	v14 =	vld [tilespmem:s0+$0x2C80]  }
0x15d: {  	v15 =	vld [tilespmem:s0+$0x3080]  }
0x15e: {  	v17 =	vld [tilespmem:s0+$0x3480]  }
0x15f: {  	v16 =	vld [tilespmem:s0+$0x3880]  }
0x160: {  	v13 =	vld [tilespmem:s0+$0x3C80]  }
0x161: {  	v1 =	vld [tilespmem:s0+$0x4080];
	s1 =	sld [smem:$0x0]  }
0x162: {  	s2 =	sld [smem:$0x1]  }
0x163: {  	s3 =	sld [smem:$0x2]  }
0x164: {  	s4 =	sld [smem:$0x3]  }
0x165: {  	s5 =	sld [smem:$0x4]  }
0x166: {  	s6 =	sld [smem:$0x5]  }
0x167: {  	s7 =	sld [smem:$0x6]  }
0x168: {  	s8 =	sld [smem:$0x7]  }
0x169: {  	s9 =	sld [smem:$0x8]  }
0x16a: {  	s11 =	sld [smem:$0x9]  }
0x16b: {  	s12 =	sld [smem:$0xA]  }
0x16c: {  	v18 =	vmin.f32 v2, s1;
	s13 =	sld [smem:$0xB]  }
0x16d: {  	v19 =	vmin.f32 v3, s2;
	v20 =	vmin.f32 v4, s3;
	v21 =	vmin.f32 v5, s4;
	s31 =	sld [smem:$0xC]  }
0x16e: {  	v18 =	vadd.f32 v19, v18;
	v22 =	vmin.f32 v6, s5;
	v19 =	vadd.f32 v21, v20;
	s4 =	sld [smem:$0xD]  }
0x16f: {  	v23 =	vmin.f32 v7, s6;
	v24 =	vmin.f32 v8, s7;
	v25 =	vmin.f32 v9, s8;
	s7 =	sld [smem:$0xE]  }
0x170: {  	v21 =	vadd.f32 v23, v22;
	v26 =	vmin.f32 v10, s9;
	v22 =	vadd.f32 v25, v24;
	s14 =	sld [smem:$0xF]  }
0x171: {  	v27 =	vmin.f32 v11, s11;
	v28 =	vmin.f32 v12, s12;
	v29 =	vmin.f32 v14, s13;
	s15 =	sld [smem:$0x10]  }
0x172: {  	v24 =	vadd.f32 v27, v26;
	v30 =	vmin.f32 v15, s31;
	v25 =	vadd.f32 v29, v28;
	s18 =	sld [smem:$0x18]  }
0x173: {  	v31 =	vmin.f32 v17, s4;
	v20 =	vmin.f32 v16, s7;
	s19 =	sld [smem:$0x19];
	v23 =	vmin.f32 v13, s14  }
0x174: {  	v26 =	vadd.f32 v31, v30;
	s20 =	sld [smem:$0x1A];
	v20 =	vadd.f32 v23, v20  }
0x175: {  	v18 =	vadd.f32 v19, v18;
	v19 =	vadd.f32 v22, v21;
	s21 =	sld [smem:$0x1B]  }
0x176: {  	v21 =	vadd.f32 v25, v24;
	s22 =	sld [smem:$0x1C];
	v20 =	vadd.f32 v20, v26  }
0x177: {  	s23 =	sld [smem:$0x1D]  }
0x178: {  	v18 =	vadd.f32 v19, v18;
	s24 =	sld [smem:$0x1E];
	v19 =	vadd.f32 v20, v21  }
0x179: {  	s25 =	sld [smem:$0x1F]  }
0x17a: {  	s26 =	sld [smem:$0x20];
	v19 =	vadd.f32 v19, v18;
	v18 =	vadd.f32 s15, v1  }
0x17b: {  	s31 =	simm.s32 $0x0;
	v22 =	vmin.f32 v3, s19;
	v23 =	vmin.f32 v4, s20;
	s28 =	sld [smem:$0x21]  }
0x17c: {  	v20 =	vmov s31;
	v21 =	vmin.f32 v2, s18;
	s29 =	sld [smem:$0x22];
	v18 =	vsub.f32 v18, v19  }
0x17d: {  	v24 =	vmin.f32 v5, s21;
	v20 =	vand.u32 $0x7, v20;
	v25 =	vmin.f32 v6, s22;
	s30 =	sld [smem:$0x23]  }
0x17e: {  	v21 =	vadd.f32 v22, v21;
	v22 =	vadd.f32 v24, v23;
	s14 =	sld [smem:$0x24];
	(erf) = vrcp.f32 v18  }
0x17f: {  	v20 =	vbroadcast v20, $0x0;
	v26 =	vmin.f32 v7, s23;
	v27 =	vmin.f32 v8, s24;
	s15 =	sld [smem:$0x25]  }
0x180: {  	v24 =	vadd.f32 v26, v25;
	v28 =	vmin.f32 v9, s25;
	v29 =	vmin.f32 v10, s26;
	s3 =	sld [smem:$0x26]  }
0x181: {  	v25 =	vadd.f32 v28, v27;
	v18 =	vmov s0;
	v30 =	vmin.f32 v11, s28;
	s5 =	sld [smem:$0x27]  }
0x182: {  	v18 =	vshll.u32 v18, $0x3;
	v31 =	vmin.f32 v12, s29;
	v32 =	vmin.f32 v14, s30;
	s6 =	sld [smem:$0x28]  }
0x183: {  	v27 =	vadd.f32 v30, v29;
	v33 =	vmin.f32 v15, s14;
	v28 =	vadd.f32 v32, v31;
	s8 =	sld [smem:$0x30]  }
0x184: {  	v34 =	vmin.f32 v17, s15;
	v23 =	vmin.f32 v16, s3;
	s9 =	sld [smem:$0x31];
	v26 =	vmin.f32 v13, s5  }
0x185: {  	v18 =	vor.u32 v0, v18;
	v30 =	vadd.f32 v34, v33;
	s18 =	sld [smem:$0x32];
	v23 =	vadd.f32 v26, v23  }
0x186: {  	v21 =	vadd.f32 v22, v21;
	v22 =	vadd.f32 v25, v24;
	v20 =	vor.u32 v18, v20;
	s19 =	sld [smem:$0x33]  }
0x187: {  	v24 =	vadd.f32 v28, v27;
	s20 =	sld [smem:$0x34];
	v29 =	vpop (erf);
	v23 =	vadd.f32 v23, v30  }
0x188: {  	s21 =	sld [smem:$0x35];
	v19 =	vmul.f32 v29, v19  }
0x189: {  	v21 =	vadd.f32 v22, v21;
	s22 =	sld [smem:$0x36];
	v22 =	vadd.f32 v23, v24  }
0x18a: {  	s23 =	sld [smem:$0x37];
	[tilespmem:s16+$0x0] =	vst v19  }
0x18b: {  	s24 =	sld [smem:$0x38];
	[tilespmem:v20+s10+$0x0] =	vst.idx.msk $0xffff, v19;
	v19 =	vadd.f32 v22, v21;
	v20 =	vadd.f32 s6, v1  }
0x18c: {  	s26 =	sld [smem:$0x39]  }
0x18d: {  	v31 =	vmin.f32 v3, s9;
	v29 =	vmin.f32 v2, s8;
	s28 =	sld [smem:$0x3A];
	v22 =	vsub.f32 v20, v19  }
0x18e: {  	s25 =	simm.s32 $0x1;
	v62 =	vmin.f32 v4, s18;
	v63 =	vmin.f32 v5, s19;
	v29 =	vadd.f32 v31, v29;
	s29 =	sld [smem:$0x3B]  }
0x18f: {  	v31 =	vadd.f32 v63, v62;
	v21 =	vmov s25;
	s30 =	sld [smem:$0x3C];
	(erf) = vrcp.f32 v22  }
0x190: {  	v23 =	vmin.f32 v8, s22;
	v20 =	vand.u32 $0x7, v21;
	v21 =	vmin.f32 v6, s20;
	s31 =	sld [smem:$0x3D]  }
0x191: {  	v26 =	vmin.f32 v9, s23;
	v20 =	vbroadcast v20, $0x0;
	v24 =	vmin.f32 v10, s24;
	s4 =	sld [smem:$0x3E]  }
0x192: {  	s1 =	simm.s32 $0x2;
	s11 =	simm.s32 $0x3;
	v22 =	vmin.f32 v7, s21;
	v25 =	vmin.f32 v11, s26;
	v27 =	vmin.f32 v12, s28;
	s5 =	sld [smem:$0x3F]  }
0x193: {  	s0 =	smov.u32 s16;
	s9 =	simm.s32 $0x50;
	v30 =	vmin.f32 v14, s29;
	v28 =	vmin.f32 v15, s30;
	v32 =	vmin.f32 v17, s31;
	s3 =	sld [smem:$0x40]  }
.LBB2_7:
0x194: {  	s2 =	sld [smem:s9+$0xFFFFFFF8];
	p0 =	sne.s32 s11, $0x7;
	v33 =	vmin.f32 v16, s4;
	v21 =	vadd.f32 v22, v21;
	v22 =	vadd.f32 v26, v23  }
0x195: {  	v34 =	vadd.f32 v25, v24;
	v25 =	vadd.f32 v30, v27;
	s4 =	sld [smem:s9+$0xFFFFFFF9];
	v23 =	vmin.f32 v13, s5  }
0x196: {  	v26 =	vadd.f32 v32, v28;
	s5 =	sld [smem:s9+$0xFFFFFFFA];
	v23 =	vadd.f32 v23, v33  }
0x197: {  	v20 =	vor.u32 v18, v20;
	v27 =	vadd.f32 v31, v29;
	v21 =	vadd.f32 v22, v21;
	s6 =	sld [smem:s9+$0xFFFFFFFB]  }
0x198: {  	v22 =	vadd.f32 v25, v34;
	s7 =	sld [smem:s9+$0xFFFFFFFC];
	v23 =	vadd.f32 v23, v26;
	v24 =	vpop (erf)  }
0x199: {  	s8 =	sld [smem:s9+$0xFFFFFFFD];
	v24 =	vmul.f32 v24, v19  }
0x19a: {  	s0 =	sadd.s32 $0x400, s0;
	v19 =	vadd.f32 v21, v27;
	s12 =	sld [smem:s9+$0xFFFFFFFE];
	v21 =	vadd.f32 v23, v22  }
0x19b: {  	s13 =	sld [smem:s9+$0xFFFFFFFF];
	[tilespmem:s0+$0x0] =	vst v24  }
0x19c: {  	s14 =	sld [smem:s9+$0x0];
	v19 =	vadd.f32 v21, v19;
	v21 =	vadd.f32 s3, v1;
	[tilespmem:v20+s10+$0x0] =	vst.idx.msk $0xffff, v24  }
0x19d: {  	v20 =	vmov s1;
	s1 =	smov.u32 s11;
	s3 =	sld [smem:s9+$0x1]  }
0x19e: {  	v20 =	vand.u32 $0x7, v20;
	s15 =	sld [smem:s9+$0x2];
	v21 =	vsub.f32 v21, v19  }
0x19f: {  	v29 =	vmin.f32 v2, s2;
	v31 =	vmin.f32 v3, s4;
	v20 =	vbroadcast v20, $0x0;
	s2 =	sld [smem:s9+$0x3]  }
.Ltmp2:
0x1a0: {  	v33 =	vmin.f32 v4, s5;
	v34 =	vmin.f32 v5, s6;
	s5 =	sld [smem:s9+$0x4];
	(erf) = vrcp.f32 v21;
	(pc) =	sbr.rel @p0 .LBB2_7-.Ltmp2, $4  }
0x1a1: {  	v22 =	vmin.f32 v7, s8;
	v23 =	vmin.f32 v8, s12;
	v21 =	vmin.f32 v6, s7;
	s6 =	sld [smem:s9+$0x5]  }
0x1a2: {  	v26 =	vmin.f32 v9, s13;
	v24 =	vmin.f32 v10, s14;
	v25 =	vmin.f32 v11, s3;
	s4 =	sld [smem:s9+$0x6]  }
0x1a3: {  	v27 =	vmin.f32 v12, s15;
	v30 =	vmin.f32 v14, s2;
	v28 =	vmin.f32 v15, s5;
	s5 =	sld [smem:s9+$0x7]  }
0x1a4: {  	v29 =	vadd.f32 v31, v29;
	v31 =	vadd.f32 v34, v33;
	s11 =	sadd.s32 $0x1, s11;
	v32 =	vmin.f32 v17, s6;
	s3 =	sld [smem:s9+$0x8];
	s9 =	sadd.s32 $0x18, s9  }
0x1a5: {  	v2 =	vmin.f32 v16, s4;
	v3 =	vadd.f32 v22, v21;
	v4 =	vadd.f32 v26, v23  }
0x1a6: {  	v6 =	vadd.f32 v25, v24;
	v7 =	vadd.f32 v30, v27;
	v5 =	vmin.f32 v13, s5  }
0x1a7: {  	v8 =	vadd.f32 v32, v28;
	v2 =	vadd.f32 v5, v2  }
0x1a8: {  	v60 =	vadd.f32 v31, v29;
	v3 =	vadd.f32 v4, v3  }
0x1a9: {  	v61 =	vadd.f32 v7, v6;
	v2 =	vadd.f32 v2, v8;
	_ =	sdelay $0x1  }
0x1aa: {  	v3 =	vadd.f32 v3, v60;
	v2 =	vadd.f32 v2, v61;
	_ =	sdelay $0x1  }
0x1ab: {  	v1 =	vadd.f32 s3, v1;
	v2 =	vadd.f32 v2, v3;
	_ =	sdelay $0x1  }
0x1ac: {  	v1 =	vsub.f32 v1, v2;
	_ =	sdelay $0x1  }
0x1ad: {  	(erf) = vrcp.f32 v1;
	_ =	sdelay $0x3  }
0x1ae: {  	v1 =	vmov s1  }
0x1af: {  	v1 =	vand.u32 $0x7, v1  }
0x1b0: {  	v3 =	vor.u32 v18, v20;
	v1 =	vbroadcast v1, $0x0  }
0x1b1: {  	s17 =	sadd.s32 $0x1, s17;
	v62 =	vpop (erf)  }
0x1b2: {  	p0 =	sne.s32 s17, $0x40;
	v4 =	vmul.f32 v62, v19;
	v1 =	vor.u32 v18, v1  }
.Ltmp3:
0x1b3: {  	s0 =	sadd.s32 $0x400, s0;
	v63 =	vpop (erf);
	(pc) =	sbr.rel @p0 .LBB2_6-.Ltmp3, $4  }
0x1b4: {  	[tilespmem:s0+$0x0] =	vst v4;
	v2 =	vmul.f32 v63, v2  }
0x1b5: {  	s0 =	sadd.s32 $0x400, s0;
	[tilespmem:v3+s10+$0x0] =	vst.idx.msk $0xffff, v4  }
0x1b6: {  	[tilespmem:s0+$0x0] =	vst v2  }
0x1b7: {  	s16 =	sadd.s32 $0x10, s16;
	[tilespmem:v1+s10+$0x0] =	vst.idx.msk $0xffff, v2  }
0x1b8: {  	s2 =	simm.s32 $0x0;
	s0 =	rddreg [dreg:$0x6];
	s1 =	simm.s32 $0x4480  }
0x1b9: {  	[hbm4b:s0+s2] =	stream.linear.scatter [tilespmem:s1], [sflag:$0x1], $0x2000, $0x38;
	[tilespmem:$0x8480] =	vst v63  }
0x1ba: {  	s1 =	simm.s32 $0x1  }
0x1bb: {  	_ =	swait.ge [sflag:s1], $0x2000  }
0x1bc: {  	s3 =	simm.s32 $0x8;
	[sflag:s1] =	ssyncset.done $0x0  }
0x1bd: {  	s4 =	simm.s32 $0x100;
	s29 =	rddreg [dreg:$0x7];
	[sflag:s1] =	ssyncadd.s32 $0xFFFFE000  }
0x1be: {  	[hbm4b:s29+s3] =	stream.strided.scatter [tilespmem:s10], [sflag:$0x1], $0x2000, s4, s3, $0x38;
	[tilespmem:$0x8480] =	vst v63  }
0x1bf: {  	_ =	swait.ge [sflag:s1], $0x2000  }
0x1c0: {  	s30 =	rddreg [dreg:$0x9]  }
0x1c1: {  	s31 =	rddreg [dreg:$0x8];
	s3 =	sadd.s32 $0x1, s30  }
0x1c2: {  	p0 =	sne.s32 s3, s31  }
.Ltmp4:
0x1c3: {  	_ = 	snop;
	(pc) =	sbr.rel @p0 .LBB2_1-.Ltmp4, $3  }
0x1c4: {  	_ =	sdelay $0x1  }
0x1c5: {  	[sflag:s1] =	ssyncset.done $0x0  }
0x1c6: {  	[sflag:s1] =	ssyncadd.s32 $0xFFFFE000  }
0x1c7: {  	_ =	sfence.sel $0x180000  }
0x1c8: {  	[bflag:$0x0] =	sbarrier.arrive $0xFFFF  }
0x1c9: {  	_ =	strace $0x90000047  }
0x1ca: {  	s0 =	stileid.u32;
	[bflag:$0x2] =	sbarrier.arrive $0xFFFF  }
0x1cb: {  	p0 =	sne.s32 s0, $0x0;
	s0 =	rddreg [dreg:$0x3]  }
0x1cc: {  	s0 =	sadd.s32 @!p0 $0x100000, s0  }
0x1cd: {  	[sflag:s0] =	ssyncadd.tile.s32 @!p0 $0x1;
	_ =	shalt  }
.Lfunc_end2:
_tile_overlayer_lowered:
.L_overlay_start_2:
0x1ce: {  	(tag) =	ssettag $0x2  }
0x1cf: {  	s0 =	rddreg [dreg:$0x0];
	s2 =	stileid.u32  }
0x1d0: {  	s1 =	rddreg [dreg:$0x1];
	p0 =	sne.s32 s2, $0x0  }
0x1d1: {  	s3 =	rddreg [dreg:$0x2];
	[bflag:$0x3] =	sbarrier.arrive $0xFFFF;
	s2 =	simm.s32 @!p0 $0x1C01  }
0x1d2: {  	[timem:s3], [sflag:s2] =	dma.local @!p0 [hbm:s0], s1  }
0x1d3: {  	s0 =	simm.s32 @!p0 $0x1  }
0x1d4: {  	_ =	swait.ge @!p0 [sflag:s0], s1  }
0x1d5: {  	s1 =	ssub.s32 @!p0 $0x0, s1;
	[sflag:s0] =	ssyncset.done @!p0 $0x0  }
0x1d6: {  	[sflag:s0] =	ssyncadd.s32 @!p0 s1  }
0x1d7: {  	[bflag:$0x3] =	sbarrier.arrive $0xFFFF  }
0x1d8: {  	_ =	shalt  }

</sc_bundles>
